<compile_context>
chip_gen: v7x
topology: tpu7x:2x2x1
jax: 0.10.2.dev20260603
libtpu: 0.0.44.dev20260713+nightly
codegen_flags: <defaults>
</compile_context>

<pallas_src>
import jax
import jax.numpy as jnp
from jax import lax
from jax.experimental import pallas as pl
from jax.experimental.pallas import tpu as pltpu
import jax.experimental.pallas.tpu_sc as plsc

N = 10000
E = 320000
D = 128
OUT = 128

NC = 2
NS = 16
K = 80
H = D // 2
EPT = E // NS
NCHUNK = EPT // K
NB = 5
NGRP = NCHUNK // NB
NPAD = 10240
ROWS = NPAD // NS



def _sc_agg_body(xv_hbm, eidx_hbm, zrow_hbm, zdeg_hbm,
                 sum_out, deg_out,
                 gidx_v, sidx_v, deg_v, acc_s, *bufs_and_sems):
    rows = list(bufs_and_sems[0:NB])
    sem_g = list(bufs_and_sems[NB:2 * NB])
    sem_s = list(bufs_and_sems[2 * NB:3 * NB])

    cid = lax.axis_index("c")
    sid = lax.axis_index("s")
    sl = pl.ds(sid * ROWS, ROWS)
    ones16 = jnp.ones((16,), jnp.float32)

    pltpu.sync_copy(eidx_hbm.at[cid, pl.ds(sid * EPT, EPT)], gidx_v)
    pltpu.sync_copy(eidx_hbm.at[1 - cid, pl.ds(sid * EPT, EPT)], sidx_v)

    pltpu.sync_copy(zrow_hbm, acc_s.at[sl])
    pltpu.sync_copy(zdeg_hbm, deg_v)

    def dbl(k, carry):
        v = gidx_v[pl.ds(k * 16, 16)]
        gidx_v[pl.ds(k * 16, 16)] = v + v
        return carry

    lax.fori_loop(0, EPT // 16, dbl, 0)

    def wait_gather(b):
        pltpu.make_async_copy(xv_hbm.at[pl.ds(0, K)], rows[b],
                              sem_g[b]).wait()

    def issue_scatter(jj, b):
        pltpu.async_copy(rows[b], acc_s.at[sidx_v.at[pl.ds(jj * K, K)]],
                         sem_s[b], add=True)

    def wait_scatter(b):
        pltpu.make_async_copy(rows[b], acc_s.at[pl.ds(0, K)],
                              sem_s[b]).wait()

    def count_degrees(jj):
        for u in range(K // 16):
            idx = sidx_v[pl.ds(jj * K + u * 16, 16)]
            plsc.addupdate_scatter(deg_v, [idx], ones16)

    for p in range(2):
        tbl = xv_hbm if p == 0 else xv_hbm.at[pl.ds(1, 2 * N - 1)]

        def issue_gather(jj, b, tbl=tbl):
            pltpu.async_copy(tbl.at[gidx_v.at[pl.ds(jj * K, K)]],
                             rows[b], sem_g[b])

        plsc.subcore_barrier()

        for b in range(NB):
            issue_gather(b, b)

        def group(g, carry):
            for b in range(NB):
                jj = g * NB + b
                bp = (b - 1) % NB
                if b == 0:
                    @pl.when(g > 0)
                    def _():
                        wait_scatter(bp)
                        issue_gather(jj - 1 + NB, bp)
                else:
                    wait_scatter(bp)
                    issue_gather(jj - 1 + NB, bp)
                wait_gather(b)
                issue_scatter(jj, b)
                if p == 0:
                    count_degrees(jj)
            return carry

        lax.fori_loop(0, NGRP - 1, group, 0)

        for b in range(NB):
            jj = (NGRP - 1) * NB + b
            bp = (b - 1) % NB
            wait_scatter(bp)
            if b == 0:
                issue_gather(jj - 1 + NB, bp)
            wait_gather(b)
            issue_scatter(jj, b)
            if p == 0:
                count_degrees(jj)
        wait_scatter((NCHUNK - 1) % NB)

        plsc.subcore_barrier()

        pltpu.sync_copy(acc_s.at[sl],
                        sum_out.at[cid, sl, pl.ds(p * H, H)])
        if p == 0:
            pltpu.sync_copy(deg_v, deg_out.at[cid, sid])
            pltpu.sync_copy(zrow_hbm, acc_s.at[sl])


def _sc_aggregate(xv, eidx, zrow, zdeg):
    mesh = plsc.VectorSubcoreMesh(core_axis_name="c", subcore_axis_name="s")
    return pl.kernel(
        _sc_agg_body,
        out_type=(
            jax.ShapeDtypeStruct((NC, NPAD, D), jnp.float32),
            jax.ShapeDtypeStruct((NC, NS, NPAD), jnp.float32),
        ),
        mesh=mesh,
        compiler_params=pltpu.CompilerParams(use_tc_tiling_on_sc=False,
                                             needs_layout_passes=False),
        scratch_types=(
            [pltpu.VMEM((EPT,), jnp.int32),
             pltpu.VMEM((EPT,), jnp.int32),
             pltpu.VMEM((NPAD,), jnp.float32),
             pltpu.VMEM_SHARED((NPAD, H), jnp.float32)]
            + [pltpu.VMEM((K, H), jnp.float32) for _ in range(NB)]
            + [pltpu.SemaphoreType.DMA for _ in range(2 * NB)]
        ),
    )(xv, eidx, zrow, zdeg)


def _linear_body(x_ref, fs_ref, bs_ref,
                 fd_ref, bd_ref, w_ref, b_ref, o_ref):
    x = x_ref[...]
    fd = jnp.sum(fd_ref[0], axis=0)[:, None]
    bd = jnp.sum(bd_ref[0], axis=0)[:, None]
    fr = 1.0 / jnp.maximum(fd, 1.0)
    br = 1.0 / jnp.maximum(bd, 1.0)
    h = jnp.concatenate([x, fs_ref[0] * fr, bs_ref[0] * br], axis=1)
    o_ref[...] = lax.dot_general(
        h, w_ref[...], (((1,), (1,)), ((), ())),
        preferred_element_type=jnp.float32) + b_ref[...]


def _linear(x, sums, degs, W, b2):
    R = 1024
    grid = (NPAD // R,)
    return pl.pallas_call(
        _linear_body,
        grid=grid,
        in_specs=[
            pl.BlockSpec((R, D), lambda i: (i, 0)),
            pl.BlockSpec((1, R, D), lambda i: (0, i, 0)),
            pl.BlockSpec((1, R, D), lambda i: (1, i, 0)),
            pl.BlockSpec((1, NS, R), lambda i: (0, 0, i)),
            pl.BlockSpec((1, NS, R), lambda i: (1, 0, i)),
            pl.BlockSpec((OUT, 3 * D), lambda i: (0, 0)),
            pl.BlockSpec((1, OUT), lambda i: (0, 0)),
        ],
        out_specs=pl.BlockSpec((R, OUT), lambda i: (i, 0)),
        out_shape=jax.ShapeDtypeStruct((N, OUT), jnp.float32),
    )(x, sums, sums, degs, degs, W, b2)


@jax.jit
def kernel(x, edge_index, W, b):
    xv = x.reshape(2 * N, H)
    zrow = jnp.zeros((ROWS, H), jnp.float32)
    zdeg = jnp.zeros((NPAD,), jnp.float32)
    sums, degs = _sc_aggregate(xv, edge_index, zrow, zdeg)
    return _linear(x, sums, degs, W, b.reshape(1, OUT))

# --- scband reference (transcript-rebuilt; emitter-appended) ---
"""Pipeline reference for scband-rossi-dir-sageconv-83408264888595 (READ-ONLY COPY).

The authoritative reference and input builder live on the scoring server;
editing this copy changes nothing except your own understanding.
"""

import jax, jax.numpy as jnp
import numpy as np

N = 10000
E = 320000
D = 128
OUT = 128


def setup_inputs(seed: int = 0) -> dict:
    key = jax.random.key(seed)
    k1, k2, k3, k4 = jax.random.split(key, 4)
    x = jax.random.normal(k1, (N, D), dtype=jnp.float32)
    edge_index = jax.random.randint(k2, (2, E), 0, N, dtype=jnp.int32)
    # fc_self: Linear(3*in_feats -> out_feats) with bias, as in torch nn.Linear (y = x @ W.T + b)
    bound = 1.0 / np.sqrt(3 * D)
    W = jax.random.uniform(k3, (OUT, 3 * D), minval=-bound, maxval=bound, dtype=jnp.float32)
    b = jax.random.uniform(k4, (OUT,), minval=-bound, maxval=bound, dtype=jnp.float32)
    return {"x": x, "edge_index": edge_index, "W": W, "b": b}


def reference(x, edge_index, W, b):
    # RossiDirSAGEConv forward:
    #  fwd_neigh = mean over in-neighbors (messages along src->dst, reduced at dst)
    #  bwd_neigh = mean over out-neighbors (graph.reverse(): messages along dst->src, reduced at src)
    #  rst = Linear(concat([h_self, fwd_neigh, bwd_neigh]))
    src = edge_index[0]
    dst = edge_index[1]
    n = x.shape[0]
    ones = jnp.ones((edge_index.shape[1],), dtype=x.dtype)

    fwd_sum = jax.ops.segment_sum(x[src], dst, num_segments=n)
    fwd_deg = jax.ops.segment_sum(ones, dst, num_segments=n)
    fwd_neigh = fwd_sum / jnp.maximum(fwd_deg, 1.0)[:, None]

    bwd_sum = jax.ops.segment_sum(x[dst], src, num_segments=n)
    bwd_deg = jax.ops.segment_sum(ones, src, num_segments=n)
    bwd_neigh = bwd_sum / jnp.maximum(bwd_deg, 1.0)[:, None]

    h = jnp.concatenate([x, fwd_neigh, bwd_neigh], axis=1)
    rst = h @ W.T + b
    return rst

if __name__ == "__main__":
    import jax
    _d = setup_inputs()
    print(jax.jit(kernel)(*tuple(_d.values())))

</pallas_src>

<mosaic_0001>
#map = affine_map<(d0, d1) -> (0, 0)>
#map1 = affine_map<(d0, d1) -> (0)>
#map2 = affine_map<(d0, d1) -> (0, 0, 0)>
module attributes {stable_mosaic.version = 14 : i64} {
  func.func @_sc_agg_body(%arg0: i32, %arg1: i32, %arg2: memref<20000x64xf32, #tpu.memory_space<hbm>>, %arg3: memref<2x320000xi32, #tpu.memory_space<hbm>>, %arg4: memref<640x64xf32, #tpu.memory_space<hbm>>, %arg5: memref<10240xf32, #tpu.memory_space<hbm>>, %arg6: memref<2x10240x128xf32, #tpu.memory_space<hbm>>, %arg7: memref<2x16x10240xf32, #tpu.memory_space<hbm>>, %arg8: memref<20000xi32, #tpu.memory_space<vmem>>, %arg9: memref<20000xi32, #tpu.memory_space<vmem>>, %arg10: memref<10240xf32, #tpu.memory_space<vmem>>, %arg11: memref<10240x64xf32, #tpu.memory_space<vmem_shared>>, %arg12: memref<80x64xf32, #tpu.memory_space<vmem>>, %arg13: memref<80x64xf32, #tpu.memory_space<vmem>>, %arg14: memref<80x64xf32, #tpu.memory_space<vmem>>, %arg15: memref<80x64xf32, #tpu.memory_space<vmem>>, %arg16: memref<80x64xf32, #tpu.memory_space<vmem>>, %arg17: memref<!tpu.dma_semaphore, #tpu.memory_space<semaphore_mem>>, %arg18: memref<!tpu.dma_semaphore, #tpu.memory_space<semaphore_mem>>, %arg19: memref<!tpu.dma_semaphore, #tpu.memory_space<semaphore_mem>>, %arg20: memref<!tpu.dma_semaphore, #tpu.memory_space<semaphore_mem>>, %arg21: memref<!tpu.dma_semaphore, #tpu.memory_space<semaphore_mem>>, %arg22: memref<!tpu.dma_semaphore, #tpu.memory_space<semaphore_mem>>, %arg23: memref<!tpu.dma_semaphore, #tpu.memory_space<semaphore_mem>>, %arg24: memref<!tpu.dma_semaphore, #tpu.memory_space<semaphore_mem>>, %arg25: memref<!tpu.dma_semaphore, #tpu.memory_space<semaphore_mem>>, %arg26: memref<!tpu.dma_semaphore, #tpu.memory_space<semaphore_mem>>) attributes {dimension_semantics = [#tpu.dimension_semantics<core_parallel>, #tpu.dimension_semantics<subcore_parallel>], iteration_bounds = array<i64: 2, 16>, scalar_prefetch = 0 : i64, scratch_operands = 19 : i64, tpu.core_type = #tpu.core_type<sc_vector_subcore>, window_params = [{transform_indices = #map}, {transform_indices = #map}, {transform_indices = #map}, {transform_indices = #map1}, {transform_indices = #map2}, {transform_indices = #map2}]} {
    %mul3A = arith.constant 640 : i32
    %mul3A_0 = arith.muli %arg1, %mul3A : i32
    %broadcast_in_dim3A = arith.constant 1.000000e+00 : f32
    %broadcast_in_dim3A_1 = vector.broadcast %broadcast_in_dim3A : f32 to vector<16xf32>
    %mul3A_2 = arith.constant 20000 : i32
    %mul3A_3 = arith.muli %arg1, %mul3A_2 : i32
    "tpu.region"() ({
      %run_scoped3A = tpu.sem_alloc : memref<!tpu.dma_semaphore, #tpu.memory_space<semaphore_mem>>
      %dma_start3A_334 = tpu.memref_slice %arg3[%arg0, %mul3A_3] : memref<2x320000xi32, #tpu.memory_space<hbm>> -> memref<1x20000xi32, #tpu.memory_space<hbm>>
      %dma_start3A_335 = tpu.memref_squeeze %dma_start3A_334 : memref<1x20000xi32, #tpu.memory_space<hbm>> -> memref<20000xi32, #tpu.memory_space<hbm>>
      %dma_start3A_336 = tpu.memref_slice %arg3[%arg0, %mul3A_3] : memref<2x320000xi32, #tpu.memory_space<hbm>> -> memref<1x20000xi32, #tpu.memory_space<hbm>>
      %dma_start3A_337 = tpu.memref_squeeze %dma_start3A_336 : memref<1x20000xi32, #tpu.memory_space<hbm>> -> memref<20000xi32, #tpu.memory_space<hbm>>
      tpu.enqueue_dma source(%dma_start3A_337 : memref<20000xi32, #tpu.memory_space<hbm>>) target(%arg8 : memref<20000xi32, #tpu.memory_space<vmem>>) target_semaphore(%run_scoped3A : memref<!tpu.dma_semaphore, #tpu.memory_space<semaphore_mem>>)
      %dma_wait3A_338 = tpu.memref_slice %arg3[%arg0, %mul3A_3] : memref<2x320000xi32, #tpu.memory_space<hbm>> -> memref<1x20000xi32, #tpu.memory_space<hbm>>
      %dma_wait3A_339 = tpu.memref_squeeze %dma_wait3A_338 : memref<1x20000xi32, #tpu.memory_space<hbm>> -> memref<20000xi32, #tpu.memory_space<hbm>>
      %dma_wait3A_340 = tpu.memref_slice %arg3[%arg0, %mul3A_3] : memref<2x320000xi32, #tpu.memory_space<hbm>> -> memref<1x20000xi32, #tpu.memory_space<hbm>>
      %dma_wait3A_341 = tpu.memref_squeeze %dma_wait3A_340 : memref<1x20000xi32, #tpu.memory_space<hbm>> -> memref<20000xi32, #tpu.memory_space<hbm>>
      tpu.wait_dma2 semaphore(%run_scoped3A : memref<!tpu.dma_semaphore, #tpu.memory_space<semaphore_mem>>) src(%dma_wait3A_341 : memref<20000xi32, #tpu.memory_space<hbm>>) dst(%arg8 : memref<20000xi32, #tpu.memory_space<vmem>>)
      tpu.yield
    }) : () -> ()
    %sub3A = arith.constant 1 : i32
    %sub3A_4 = arith.subi %sub3A, %arg0 : i32
    %mul3A_5 = arith.constant 20000 : i32
    %mul3A_6 = arith.muli %arg1, %mul3A_5 : i32
    "tpu.region"() ({
      %run_scoped3A = tpu.sem_alloc : memref<!tpu.dma_semaphore, #tpu.memory_space<semaphore_mem>>
      %dma_start3A_334 = tpu.memref_slice %arg3[%sub3A_4, %mul3A_6] : memref<2x320000xi32, #tpu.memory_space<hbm>> -> memref<1x20000xi32, #tpu.memory_space<hbm>>
      %dma_start3A_335 = tpu.memref_squeeze %dma_start3A_334 : memref<1x20000xi32, #tpu.memory_space<hbm>> -> memref<20000xi32, #tpu.memory_space<hbm>>
      %dma_start3A_336 = tpu.memref_slice %arg3[%sub3A_4, %mul3A_6] : memref<2x320000xi32, #tpu.memory_space<hbm>> -> memref<1x20000xi32, #tpu.memory_space<hbm>>
      %dma_start3A_337 = tpu.memref_squeeze %dma_start3A_336 : memref<1x20000xi32, #tpu.memory_space<hbm>> -> memref<20000xi32, #tpu.memory_space<hbm>>
      tpu.enqueue_dma source(%dma_start3A_337 : memref<20000xi32, #tpu.memory_space<hbm>>) target(%arg9 : memref<20000xi32, #tpu.memory_space<vmem>>) target_semaphore(%run_scoped3A : memref<!tpu.dma_semaphore, #tpu.memory_space<semaphore_mem>>)
      %dma_wait3A_338 = tpu.memref_slice %arg3[%sub3A_4, %mul3A_6] : memref<2x320000xi32, #tpu.memory_space<hbm>> -> memref<1x20000xi32, #tpu.memory_space<hbm>>
      %dma_wait3A_339 = tpu.memref_squeeze %dma_wait3A_338 : memref<1x20000xi32, #tpu.memory_space<hbm>> -> memref<20000xi32, #tpu.memory_space<hbm>>
      %dma_wait3A_340 = tpu.memref_slice %arg3[%sub3A_4, %mul3A_6] : memref<2x320000xi32, #tpu.memory_space<hbm>> -> memref<1x20000xi32, #tpu.memory_space<hbm>>
      %dma_wait3A_341 = tpu.memref_squeeze %dma_wait3A_340 : memref<1x20000xi32, #tpu.memory_space<hbm>> -> memref<20000xi32, #tpu.memory_space<hbm>>
      tpu.wait_dma2 semaphore(%run_scoped3A : memref<!tpu.dma_semaphore, #tpu.memory_space<semaphore_mem>>) src(%dma_wait3A_341 : memref<20000xi32, #tpu.memory_space<hbm>>) dst(%arg9 : memref<20000xi32, #tpu.memory_space<vmem>>)
      tpu.yield
    }) : () -> ()
    "tpu.region"() ({
      %run_scoped3A = tpu.sem_alloc : memref<!tpu.dma_semaphore, #tpu.memory_space<semaphore_mem>>
      %dma_start3A_334 = arith.constant 0 : i32
      %dma_start3A_335 = tpu.memref_slice %arg11[%mul3A_0, %dma_start3A_334] : memref<10240x64xf32, #tpu.memory_space<vmem_shared>> -> memref<640x64xf32, #tpu.memory_space<vmem_shared>>
      tpu.enqueue_dma source(%arg4 : memref<640x64xf32, #tpu.memory_space<hbm>>) target(%dma_start3A_335 : memref<640x64xf32, #tpu.memory_space<vmem_shared>>) target_semaphore(%run_scoped3A : memref<!tpu.dma_semaphore, #tpu.memory_space<semaphore_mem>>)
      %dma_wait3A_336 = arith.constant 0 : i32
      %dma_wait3A_337 = tpu.memref_slice %arg11[%mul3A_0, %dma_wait3A_336] : memref<10240x64xf32, #tpu.memory_space<vmem_shared>> -> memref<640x64xf32, #tpu.memory_space<vmem_shared>>
      tpu.wait_dma2 semaphore(%run_scoped3A : memref<!tpu.dma_semaphore, #tpu.memory_space<semaphore_mem>>) src(%arg4 : memref<640x64xf32, #tpu.memory_space<hbm>>) dst(%dma_wait3A_337 : memref<640x64xf32, #tpu.memory_space<vmem_shared>>)
      tpu.yield
    }) : () -> ()
    "tpu.region"() ({
      %run_scoped3A = tpu.sem_alloc : memref<!tpu.dma_semaphore, #tpu.memory_space<semaphore_mem>>
      tpu.enqueue_dma source(%arg5 : memref<10240xf32, #tpu.memory_space<hbm>>) target(%arg10 : memref<10240xf32, #tpu.memory_space<vmem>>) target_semaphore(%run_scoped3A : memref<!tpu.dma_semaphore, #tpu.memory_space<semaphore_mem>>)
      tpu.wait_dma2 semaphore(%run_scoped3A : memref<!tpu.dma_semaphore, #tpu.memory_space<semaphore_mem>>) src(%arg5 : memref<10240xf32, #tpu.memory_space<hbm>>) dst(%arg10 : memref<10240xf32, #tpu.memory_space<vmem>>)
      tpu.yield
    }) : () -> ()
    %scan3A = arith.constant 0 : i32
    %scan3A_7 = arith.constant 0 : i32
    %scan3A_8 = arith.constant 1250 : i32
    %scan3A_9 = arith.addi %scan3A_7, %scan3A_8 : i32
    %scan3A_10 = arith.constant 1 : i32
    scf.for %scan3A_334 = %scan3A_7 to %scan3A_9 step %scan3A_10  : i32 {
      %mul3A_335 = arith.constant 16 : i32
      %mul3A_336 = arith.muli %scan3A_334, %mul3A_335 : i32
      %get3A_337 = arith.index_cast %mul3A_336 : i32 to index
      %get3A_338 = tpu.vector_load %arg8[%get3A_337] {strides = array<i32>} : memref<20000xi32, #tpu.memory_space<vmem>>, vector<16xi32>,
      %add3A = arith.addi %get3A_338, %get3A_338 : vector<16xi32>
      %mul3A_339 = arith.constant 16 : i32
      %mul3A_340 = arith.muli %scan3A_334, %mul3A_339 : i32
      %swap3A = arith.index_cast %mul3A_340 : i32 to index
      %swap3A_341 = tpu.vector_load %arg8[%swap3A] {strides = array<i32>} : memref<20000xi32, #tpu.memory_space<vmem>>, vector<16xi32>,
      tpu.vector_store %arg8[%swap3A], %add3A {strides = array<i32>} : memref<20000xi32, #tpu.memory_space<vmem>>, vector<16xi32>,
    }
    %scan3A_11 = arith.constant 1250 : i32
    %barrier3A = arith.constant 0 : index
    tpu.barrier barrier_id(%barrier3A)
    %dma_start3A = arith.constant 0 : i32
    %dma_start3A_12 = tpu.memref_slice %arg8[%dma_start3A] : memref<20000xi32, #tpu.memory_space<vmem>> -> memref<80xi32, #tpu.memory_space<vmem>>
    %dma_start3A_13 = arith.constant 0 : i32
    %dma_start3A_14 = arith.constant 0 : i32
    %dma_start3A_15 = tpu.memref_slice %arg2[%dma_start3A_13, %dma_start3A_14] : memref<20000x64xf32, #tpu.memory_space<hbm>> -> memref<20000x64xf32, #tpu.memory_space<hbm>>
    tpu.enqueue_indirect_dma source(%dma_start3A_15 : memref<20000x64xf32, #tpu.memory_space<hbm>>) target(%arg12 : memref<80x64xf32, #tpu.memory_space<vmem>>) offsets(%dma_start3A_12 : memref<80xi32, #tpu.memory_space<vmem>>) semaphore(%arg17 : memref<!tpu.dma_semaphore, #tpu.memory_space<semaphore_mem>>)
    %dma_start3A_16 = arith.constant 80 : i32
    %dma_start3A_17 = tpu.memref_slice %arg8[%dma_start3A_16] : memref<20000xi32, #tpu.memory_space<vmem>> -> memref<80xi32, #tpu.memory_space<vmem>>
    %dma_start3A_18 = arith.constant 0 : i32
    %dma_start3A_19 = arith.constant 0 : i32
    %dma_start3A_20 = tpu.memref_slice %arg2[%dma_start3A_18, %dma_start3A_19] : memref<20000x64xf32, #tpu.memory_space<hbm>> -> memref<20000x64xf32, #tpu.memory_space<hbm>>
    tpu.enqueue_indirect_dma source(%dma_start3A_20 : memref<20000x64xf32, #tpu.memory_space<hbm>>) target(%arg13 : memref<80x64xf32, #tpu.memory_space<vmem>>) offsets(%dma_start3A_17 : memref<80xi32, #tpu.memory_space<vmem>>) semaphore(%arg18 : memref<!tpu.dma_semaphore, #tpu.memory_space<semaphore_mem>>)
    %dma_start3A_21 = arith.constant 160 : i32
    %dma_start3A_22 = tpu.memref_slice %arg8[%dma_start3A_21] : memref<20000xi32, #tpu.memory_space<vmem>> -> memref<80xi32, #tpu.memory_space<vmem>>
    %dma_start3A_23 = arith.constant 0 : i32
    %dma_start3A_24 = arith.constant 0 : i32
    %dma_start3A_25 = tpu.memref_slice %arg2[%dma_start3A_23, %dma_start3A_24] : memref<20000x64xf32, #tpu.memory_space<hbm>> -> memref<20000x64xf32, #tpu.memory_space<hbm>>
    tpu.enqueue_indirect_dma source(%dma_start3A_25 : memref<20000x64xf32, #tpu.memory_space<hbm>>) target(%arg14 : memref<80x64xf32, #tpu.memory_space<vmem>>) offsets(%dma_start3A_22 : memref<80xi32, #tpu.memory_space<vmem>>) semaphore(%arg19 : memref<!tpu.dma_semaphore, #tpu.memory_space<semaphore_mem>>)
    %dma_start3A_26 = arith.constant 240 : i32
    %dma_start3A_27 = tpu.memref_slice %arg8[%dma_start3A_26] : memref<20000xi32, #tpu.memory_space<vmem>> -> memref<80xi32, #tpu.memory_space<vmem>>
    %dma_start3A_28 = arith.constant 0 : i32
    %dma_start3A_29 = arith.constant 0 : i32
    %dma_start3A_30 = tpu.memref_slice %arg2[%dma_start3A_28, %dma_start3A_29] : memref<20000x64xf32, #tpu.memory_space<hbm>> -> memref<20000x64xf32, #tpu.memory_space<hbm>>
    tpu.enqueue_indirect_dma source(%dma_start3A_30 : memref<20000x64xf32, #tpu.memory_space<hbm>>) target(%arg15 : memref<80x64xf32, #tpu.memory_space<vmem>>) offsets(%dma_start3A_27 : memref<80xi32, #tpu.memory_space<vmem>>) semaphore(%arg20 : memref<!tpu.dma_semaphore, #tpu.memory_space<semaphore_mem>>)
    %dma_start3A_31 = arith.constant 320 : i32
    %dma_start3A_32 = tpu.memref_slice %arg8[%dma_start3A_31] : memref<20000xi32, #tpu.memory_space<vmem>> -> memref<80xi32, #tpu.memory_space<vmem>>
    %dma_start3A_33 = arith.constant 0 : i32
    %dma_start3A_34 = arith.constant 0 : i32
    %dma_start3A_35 = tpu.memref_slice %arg2[%dma_start3A_33, %dma_start3A_34] : memref<20000x64xf32, #tpu.memory_space<hbm>> -> memref<20000x64xf32, #tpu.memory_space<hbm>>
    tpu.enqueue_indirect_dma source(%dma_start3A_35 : memref<20000x64xf32, #tpu.memory_space<hbm>>) target(%arg16 : memref<80x64xf32, #tpu.memory_space<vmem>>) offsets(%dma_start3A_32 : memref<80xi32, #tpu.memory_space<vmem>>) semaphore(%arg21 : memref<!tpu.dma_semaphore, #tpu.memory_space<semaphore_mem>>)
    %scan3A_36 = arith.constant 0 : i32
    %scan3A_37 = arith.constant 0 : i32
    %scan3A_38 = arith.constant 49 : i32
    %scan3A_39 = arith.addi %scan3A_37, %scan3A_38 : i32
    %scan3A_40 = arith.constant 1 : i32
    scf.for %scan3A_334 = %scan3A_37 to %scan3A_39 step %scan3A_40  : i32 {
      %mul3A_335 = arith.constant 5 : i32
      %mul3A_336 = arith.muli %scan3A_334, %mul3A_335 : i32
      %add3A = arith.constant 0 : i32
      %add3A_337 = arith.addi %mul3A_336, %add3A : i32
      %gt3A = arith.constant 0 : i32
      %gt3A_338 = arith.cmpi sgt, %scan3A_334, %gt3A : i32
      %convert_element_type3A = arith.extui %gt3A_338 : i1 to i32
      %cond3A = arith.constant 0 : i32
      %cond3A_339 = arith.cmpi ne, %convert_element_type3A, %cond3A : i32
      scf.if %cond3A_339 {
        %dma_wait3A_630 = arith.constant 0 : i32
        %dma_wait3A_631 = arith.constant 0 : i32
        %dma_wait3A_632 = tpu.memref_slice %arg11[%dma_wait3A_630, %dma_wait3A_631] : memref<10240x64xf32, #tpu.memory_space<vmem_shared>> -> memref<80x64xf32, #tpu.memory_space<vmem_shared>>
        %dma_wait3A_633 = arith.constant 0 : i32
        %dma_wait3A_634 = arith.constant 0 : i32
        %dma_wait3A_635 = tpu.memref_slice %arg11[%dma_wait3A_633, %dma_wait3A_634] : memref<10240x64xf32, #tpu.memory_space<vmem_shared>> -> memref<80x64xf32, #tpu.memory_space<vmem_shared>>
        tpu.wait_dma2 semaphore(%arg26 : memref<!tpu.dma_semaphore, #tpu.memory_space<semaphore_mem>>) src(%arg16 : memref<80x64xf32, #tpu.memory_space<vmem>>) dst(%dma_wait3A_635 : memref<80x64xf32, #tpu.memory_space<vmem_shared>>)
        %sub3A_636 = arith.constant 1 : i32
        %sub3A_637 = arith.subi %add3A_337, %sub3A_636 : i32
        %add3A_638 = arith.constant 5 : i32
        %add3A_639 = arith.addi %sub3A_637, %add3A_638 : i32
        %mul3A_640 = arith.constant 80 : i32
        %mul3A_641 = arith.muli %add3A_639, %mul3A_640 : i32
        %dma_start3A_642 = tpu.memref_slice %arg8[%mul3A_641] : memref<20000xi32, #tpu.memory_space<vmem>> -> memref<80xi32, #tpu.memory_space<vmem>>
        %dma_start3A_643 = arith.constant 0 : i32
        %dma_start3A_644 = arith.constant 0 : i32
        %dma_start3A_645 = tpu.memref_slice %arg2[%dma_start3A_643, %dma_start3A_644] : memref<20000x64xf32, #tpu.memory_space<hbm>> -> memref<20000x64xf32, #tpu.memory_space<hbm>>
        tpu.enqueue_indirect_dma source(%dma_start3A_645 : memref<20000x64xf32, #tpu.memory_space<hbm>>) target(%arg16 : memref<80x64xf32, #tpu.memory_space<vmem>>) offsets(%dma_start3A_642 : memref<80xi32, #tpu.memory_space<vmem>>) semaphore(%arg21 : memref<!tpu.dma_semaphore, #tpu.memory_space<semaphore_mem>>)
      } else {
      }
      %dma_wait3A_340 = arith.constant 0 : i32
      %dma_wait3A_341 = arith.constant 0 : i32
      %dma_wait3A_342 = tpu.memref_slice %arg2[%dma_wait3A_340, %dma_wait3A_341] : memref<20000x64xf32, #tpu.memory_space<hbm>> -> memref<80x64xf32, #tpu.memory_space<hbm>>
      %dma_wait3A_343 = arith.constant 0 : i32
      %dma_wait3A_344 = arith.constant 0 : i32
      %dma_wait3A_345 = tpu.memref_slice %arg2[%dma_wait3A_343, %dma_wait3A_344] : memref<20000x64xf32, #tpu.memory_space<hbm>> -> memref<80x64xf32, #tpu.memory_space<hbm>>
      tpu.wait_dma2 semaphore(%arg17 : memref<!tpu.dma_semaphore, #tpu.memory_space<semaphore_mem>>) src(%dma_wait3A_345 : memref<80x64xf32, #tpu.memory_space<hbm>>) dst(%arg12 : memref<80x64xf32, #tpu.memory_space<vmem>>)
      %mul3A_346 = arith.constant 80 : i32
      %mul3A_347 = arith.muli %add3A_337, %mul3A_346 : i32
      %dma_start3A_348 = tpu.memref_slice %arg9[%mul3A_347] : memref<20000xi32, #tpu.memory_space<vmem>> -> memref<80xi32, #tpu.memory_space<vmem>>
      %dma_start3A_349 = arith.constant 0 : i32
      %dma_start3A_350 = arith.constant 0 : i32
      %dma_start3A_351 = tpu.memref_slice %arg11[%dma_start3A_349, %dma_start3A_350] : memref<10240x64xf32, #tpu.memory_space<vmem_shared>> -> memref<10240x64xf32, #tpu.memory_space<vmem_shared>>
      tpu.enqueue_indirect_dma source(%arg12 : memref<80x64xf32, #tpu.memory_space<vmem>>) target(%dma_start3A_351 : memref<10240x64xf32, #tpu.memory_space<vmem_shared>>) offsets(%dma_start3A_348 : memref<80xi32, #tpu.memory_space<vmem>>) semaphore(%arg22 : memref<!tpu.dma_semaphore, #tpu.memory_space<semaphore_mem>>) {add = true}
      %mul3A_352 = arith.constant 80 : i32
      %mul3A_353 = arith.muli %add3A_337, %mul3A_352 : i32
      %add3A_354 = arith.constant 0 : i32
      %add3A_355 = arith.addi %mul3A_353, %add3A_354 : i32
      %get3A_356 = arith.index_cast %add3A_355 : i32 to index
      %get3A_357 = tpu.vector_load %arg9[%get3A_356] {strides = array<i32>} : memref<20000xi32, #tpu.memory_space<vmem>>, vector<16xi32>,
      tpu.vector_store_idx %arg10[%get3A_357], %broadcast_in_dim3A_1 {add = true} : memref<10240xf32, #tpu.memory_space<vmem>>[vector<16xi32>], vector<16xf32>,
      %mul3A_358 = arith.constant 80 : i32
      %mul3A_359 = arith.muli %add3A_337, %mul3A_358 : i32
      %add3A_360 = arith.constant 16 : i32
      %add3A_361 = arith.addi %mul3A_359, %add3A_360 : i32
      %get3A_362 = arith.index_cast %add3A_361 : i32 to index
      %get3A_363 = tpu.vector_load %arg9[%get3A_362] {strides = array<i32>} : memref<20000xi32, #tpu.memory_space<vmem>>, vector<16xi32>,
      tpu.vector_store_idx %arg10[%get3A_363], %broadcast_in_dim3A_1 {add = true} : memref<10240xf32, #tpu.memory_space<vmem>>[vector<16xi32>], vector<16xf32>,
      %mul3A_364 = arith.constant 80 : i32
      %mul3A_365 = arith.muli %add3A_337, %mul3A_364 : i32
      %add3A_366 = arith.constant 32 : i32
      %add3A_367 = arith.addi %mul3A_365, %add3A_366 : i32
      %get3A_368 = arith.index_cast %add3A_367 : i32 to index
      %get3A_369 = tpu.vector_load %arg9[%get3A_368] {strides = array<i32>} : memref<20000xi32, #tpu.memory_space<vmem>>, vector<16xi32>,
      tpu.vector_store_idx %arg10[%get3A_369], %broadcast_in_dim3A_1 {add = true} : memref<10240xf32, #tpu.memory_space<vmem>>[vector<16xi32>], vector<16xf32>,
      %mul3A_370 = arith.constant 80 : i32
      %mul3A_371 = arith.muli %add3A_337, %mul3A_370 : i32
      %add3A_372 = arith.constant 48 : i32
      %add3A_373 = arith.addi %mul3A_371, %add3A_372 : i32
      %get3A_374 = arith.index_cast %add3A_373 : i32 to index
      %get3A_375 = tpu.vector_load %arg9[%get3A_374] {strides = array<i32>} : memref<20000xi32, #tpu.memory_space<vmem>>, vector<16xi32>,
      tpu.vector_store_idx %arg10[%get3A_375], %broadcast_in_dim3A_1 {add = true} : memref<10240xf32, #tpu.memory_space<vmem>>[vector<16xi32>], vector<16xf32>,
      %mul3A_376 = arith.constant 80 : i32
      %mul3A_377 = arith.muli %add3A_337, %mul3A_376 : i32
      %add3A_378 = arith.constant 64 : i32
      %add3A_379 = arith.addi %mul3A_377, %add3A_378 : i32
      %get3A_380 = arith.index_cast %add3A_379 : i32 to index
      %get3A_381 = tpu.vector_load %arg9[%get3A_380] {strides = array<i32>} : memref<20000xi32, #tpu.memory_space<vmem>>, vector<16xi32>,
      tpu.vector_store_idx %arg10[%get3A_381], %broadcast_in_dim3A_1 {add = true} : memref<10240xf32, #tpu.memory_space<vmem>>[vector<16xi32>], vector<16xf32>,
      %mul3A_382 = arith.constant 5 : i32
      %mul3A_383 = arith.muli %scan3A_334, %mul3A_382 : i32
      %add3A_384 = arith.constant 1 : i32
      %add3A_385 = arith.addi %mul3A_383, %add3A_384 : i32
      %dma_wait3A_386 = arith.constant 0 : i32
      %dma_wait3A_387 = arith.constant 0 : i32
      %dma_wait3A_388 = tpu.memref_slice %arg11[%dma_wait3A_386, %dma_wait3A_387] : memref<10240x64xf32, #tpu.memory_space<vmem_shared>> -> memref<80x64xf32, #tpu.memory_space<vmem_shared>>
      %dma_wait3A_389 = arith.constant 0 : i32
      %dma_wait3A_390 = arith.constant 0 : i32
      %dma_wait3A_391 = tpu.memref_slice %arg11[%dma_wait3A_389, %dma_wait3A_390] : memref<10240x64xf32, #tpu.memory_space<vmem_shared>> -> memref<80x64xf32, #tpu.memory_space<vmem_shared>>
      tpu.wait_dma2 semaphore(%arg22 : memref<!tpu.dma_semaphore, #tpu.memory_space<semaphore_mem>>) src(%arg12 : memref<80x64xf32, #tpu.memory_space<vmem>>) dst(%dma_wait3A_391 : memref<80x64xf32, #tpu.memory_space<vmem_shared>>)
      %sub3A_392 = arith.constant 1 : i32
      %sub3A_393 = arith.subi %add3A_385, %sub3A_392 : i32
      %add3A_394 = arith.constant 5 : i32
      %add3A_395 = arith.addi %sub3A_393, %add3A_394 : i32
      %mul3A_396 = arith.constant 80 : i32
      %mul3A_397 = arith.muli %add3A_395, %mul3A_396 : i32
      %dma_start3A_398 = tpu.memref_slice %arg8[%mul3A_397] : memref<20000xi32, #tpu.memory_space<vmem>> -> memref<80xi32, #tpu.memory_space<vmem>>
      %dma_start3A_399 = arith.constant 0 : i32
      %dma_start3A_400 = arith.constant 0 : i32
      %dma_start3A_401 = tpu.memref_slice %arg2[%dma_start3A_399, %dma_start3A_400] : memref<20000x64xf32, #tpu.memory_space<hbm>> -> memref<20000x64xf32, #tpu.memory_space<hbm>>
      tpu.enqueue_indirect_dma source(%dma_start3A_401 : memref<20000x64xf32, #tpu.memory_space<hbm>>) target(%arg12 : memref<80x64xf32, #tpu.memory_space<vmem>>) offsets(%dma_start3A_398 : memref<80xi32, #tpu.memory_space<vmem>>) semaphore(%arg17 : memref<!tpu.dma_semaphore, #tpu.memory_space<semaphore_mem>>)
      %dma_wait3A_402 = arith.constant 0 : i32
      %dma_wait3A_403 = arith.constant 0 : i32
      %dma_wait3A_404 = tpu.memref_slice %arg2[%dma_wait3A_402, %dma_wait3A_403] : memref<20000x64xf32, #tpu.memory_space<hbm>> -> memref<80x64xf32, #tpu.memory_space<hbm>>
      %dma_wait3A_405 = arith.constant 0 : i32
      %dma_wait3A_406 = arith.constant 0 : i32
      %dma_wait3A_407 = tpu.memref_slice %arg2[%dma_wait3A_405, %dma_wait3A_406] : memref<20000x64xf32, #tpu.memory_space<hbm>> -> memref<80x64xf32, #tpu.memory_space<hbm>>
      tpu.wait_dma2 semaphore(%arg18 : memref<!tpu.dma_semaphore, #tpu.memory_space<semaphore_mem>>) src(%dma_wait3A_407 : memref<80x64xf32, #tpu.memory_space<hbm>>) dst(%arg13 : memref<80x64xf32, #tpu.memory_space<vmem>>)
      %mul3A_408 = arith.constant 80 : i32
      %mul3A_409 = arith.muli %add3A_385, %mul3A_408 : i32
      %dma_start3A_410 = tpu.memref_slice %arg9[%mul3A_409] : memref<20000xi32, #tpu.memory_space<vmem>> -> memref<80xi32, #tpu.memory_space<vmem>>
      %dma_start3A_411 = arith.constant 0 : i32
      %dma_start3A_412 = arith.constant 0 : i32
      %dma_start3A_413 = tpu.memref_slice %arg11[%dma_start3A_411, %dma_start3A_412] : memref<10240x64xf32, #tpu.memory_space<vmem_shared>> -> memref<10240x64xf32, #tpu.memory_space<vmem_shared>>
      tpu.enqueue_indirect_dma source(%arg13 : memref<80x64xf32, #tpu.memory_space<vmem>>) target(%dma_start3A_413 : memref<10240x64xf32, #tpu.memory_space<vmem_shared>>) offsets(%dma_start3A_410 : memref<80xi32, #tpu.memory_space<vmem>>) semaphore(%arg23 : memref<!tpu.dma_semaphore, #tpu.memory_space<semaphore_mem>>) {add = true}
      %mul3A_414 = arith.constant 80 : i32
      %mul3A_415 = arith.muli %add3A_385, %mul3A_414 : i32
      %add3A_416 = arith.constant 0 : i32
      %add3A_417 = arith.addi %mul3A_415, %add3A_416 : i32
      %get3A_418 = arith.index_cast %add3A_417 : i32 to index
      %get3A_419 = tpu.vector_load %arg9[%get3A_418] {strides = array<i32>} : memref<20000xi32, #tpu.memory_space<vmem>>, vector<16xi32>,
      tpu.vector_store_idx %arg10[%get3A_419], %broadcast_in_dim3A_1 {add = true} : memref<10240xf32, #tpu.memory_space<vmem>>[vector<16xi32>], vector<16xf32>,
      %mul3A_420 = arith.constant 80 : i32
      %mul3A_421 = arith.muli %add3A_385, %mul3A_420 : i32
      %add3A_422 = arith.constant 16 : i32
      %add3A_423 = arith.addi %mul3A_421, %add3A_422 : i32
      %get3A_424 = arith.index_cast %add3A_423 : i32 to index
      %get3A_425 = tpu.vector_load %arg9[%get3A_424] {strides = array<i32>} : memref<20000xi32, #tpu.memory_space<vmem>>, vector<16xi32>,
      tpu.vector_store_idx %arg10[%get3A_425], %broadcast_in_dim3A_1 {add = true} : memref<10240xf32, #tpu.memory_space<vmem>>[vector<16xi32>], vector<16xf32>,
      %mul3A_426 = arith.constant 80 : i32
      %mul3A_427 = arith.muli %add3A_385, %mul3A_426 : i32
      %add3A_428 = arith.constant 32 : i32
      %add3A_429 = arith.addi %mul3A_427, %add3A_428 : i32
      %get3A_430 = arith.index_cast %add3A_429 : i32 to index
      %get3A_431 = tpu.vector_load %arg9[%get3A_430] {strides = array<i32>} : memref<20000xi32, #tpu.memory_space<vmem>>, vector<16xi32>,
      tpu.vector_store_idx %arg10[%get3A_431], %broadcast_in_dim3A_1 {add = true} : memref<10240xf32, #tpu.memory_space<vmem>>[vector<16xi32>], vector<16xf32>,
      %mul3A_432 = arith.constant 80 : i32
      %mul3A_433 = arith.muli %add3A_385, %mul3A_432 : i32
      %add3A_434 = arith.constant 48 : i32
      %add3A_435 = arith.addi %mul3A_433, %add3A_434 : i32
      %get3A_436 = arith.index_cast %add3A_435 : i32 to index
      %get3A_437 = tpu.vector_load %arg9[%get3A_436] {strides = array<i32>} : memref<20000xi32, #tpu.memory_space<vmem>>, vector<16xi32>,
      tpu.vector_store_idx %arg10[%get3A_437], %broadcast_in_dim3A_1 {add = true} : memref<10240xf32, #tpu.memory_space<vmem>>[vector<16xi32>], vector<16xf32>,
      %mul3A_438 = arith.constant 80 : i32
      %mul3A_439 = arith.muli %add3A_385, %mul3A_438 : i32
      %add3A_440 = arith.constant 64 : i32
      %add3A_441 = arith.addi %mul3A_439, %add3A_440 : i32
      %get3A_442 = arith.index_cast %add3A_441 : i32 to index
      %get3A_443 = tpu.vector_load %arg9[%get3A_442] {strides = array<i32>} : memref<20000xi32, #tpu.memory_space<vmem>>, vector<16xi32>,
      tpu.vector_store_idx %arg10[%get3A_443], %broadcast_in_dim3A_1 {add = true} : memref<10240xf32, #tpu.memory_space<vmem>>[vector<16xi32>], vector<16xf32>,
      %mul3A_444 = arith.constant 5 : i32
      %mul3A_445 = arith.muli %scan3A_334, %mul3A_444 : i32
      %add3A_446 = arith.constant 2 : i32
      %add3A_447 = arith.addi %mul3A_445, %add3A_446 : i32
      %dma_wait3A_448 = arith.constant 0 : i32
      %dma_wait3A_449 = arith.constant 0 : i32
      %dma_wait3A_450 = tpu.memref_slice %arg11[%dma_wait3A_448, %dma_wait3A_449] : memref<10240x64xf32, #tpu.memory_space<vmem_shared>> -> memref<80x64xf32, #tpu.memory_space<vmem_shared>>
      %dma_wait3A_451 = arith.constant 0 : i32
      %dma_wait3A_452 = arith.constant 0 : i32
      %dma_wait3A_453 = tpu.memref_slice %arg11[%dma_wait3A_451, %dma_wait3A_452] : memref<10240x64xf32, #tpu.memory_space<vmem_shared>> -> memref<80x64xf32, #tpu.memory_space<vmem_shared>>
      tpu.wait_dma2 semaphore(%arg23 : memref<!tpu.dma_semaphore, #tpu.memory_space<semaphore_mem>>) src(%arg13 : memref<80x64xf32, #tpu.memory_space<vmem>>) dst(%dma_wait3A_453 : memref<80x64xf32, #tpu.memory_space<vmem_shared>>)
      %sub3A_454 = arith.constant 1 : i32
      %sub3A_455 = arith.subi %add3A_447, %sub3A_454 : i32
      %add3A_456 = arith.constant 5 : i32
      %add3A_457 = arith.addi %sub3A_455, %add3A_456 : i32
      %mul3A_458 = arith.constant 80 : i32
      %mul3A_459 = arith.muli %add3A_457, %mul3A_458 : i32
      %dma_start3A_460 = tpu.memref_slice %arg8[%mul3A_459] : memref<20000xi32, #tpu.memory_space<vmem>> -> memref<80xi32, #tpu.memory_space<vmem>>
      %dma_start3A_461 = arith.constant 0 : i32
      %dma_start3A_462 = arith.constant 0 : i32
      %dma_start3A_463 = tpu.memref_slice %arg2[%dma_start3A_461, %dma_start3A_462] : memref<20000x64xf32, #tpu.memory_space<hbm>> -> memref<20000x64xf32, #tpu.memory_space<hbm>>
      tpu.enqueue_indirect_dma source(%dma_start3A_463 : memref<20000x64xf32, #tpu.memory_space<hbm>>) target(%arg13 : memref<80x64xf32, #tpu.memory_space<vmem>>) offsets(%dma_start3A_460 : memref<80xi32, #tpu.memory_space<vmem>>) semaphore(%arg18 : memref<!tpu.dma_semaphore, #tpu.memory_space<semaphore_mem>>)
      %dma_wait3A_464 = arith.constant 0 : i32
      %dma_wait3A_465 = arith.constant 0 : i32
      %dma_wait3A_466 = tpu.memref_slice %arg2[%dma_wait3A_464, %dma_wait3A_465] : memref<20000x64xf32, #tpu.memory_space<hbm>> -> memref<80x64xf32, #tpu.memory_space<hbm>>
      %dma_wait3A_467 = arith.constant 0 : i32
      %dma_wait3A_468 = arith.constant 0 : i32
      %dma_wait3A_469 = tpu.memref_slice %arg2[%dma_wait3A_467, %dma_wait3A_468] : memref<20000x64xf32, #tpu.memory_space<hbm>> -> memref<80x64xf32, #tpu.memory_space<hbm>>
      tpu.wait_dma2 semaphore(%arg19 : memref<!tpu.dma_semaphore, #tpu.memory_space<semaphore_mem>>) src(%dma_wait3A_469 : memref<80x64xf32, #tpu.memory_space<hbm>>) dst(%arg14 : memref<80x64xf32, #tpu.memory_space<vmem>>)
      %mul3A_470 = arith.constant 80 : i32
      %mul3A_471 = arith.muli %add3A_447, %mul3A_470 : i32
      %dma_start3A_472 = tpu.memref_slice %arg9[%mul3A_471] : memref<20000xi32, #tpu.memory_space<vmem>> -> memref<80xi32, #tpu.memory_space<vmem>>
      %dma_start3A_473 = arith.constant 0 : i32
      %dma_start3A_474 = arith.constant 0 : i32
      %dma_start3A_475 = tpu.memref_slice %arg11[%dma_start3A_473, %dma_start3A_474] : memref<10240x64xf32, #tpu.memory_space<vmem_shared>> -> memref<10240x64xf32, #tpu.memory_space<vmem_shared>>
      tpu.enqueue_indirect_dma source(%arg14 : memref<80x64xf32, #tpu.memory_space<vmem>>) target(%dma_start3A_475 : memref<10240x64xf32, #tpu.memory_space<vmem_shared>>) offsets(%dma_start3A_472 : memref<80xi32, #tpu.memory_space<vmem>>) semaphore(%arg24 : memref<!tpu.dma_semaphore, #tpu.memory_space<semaphore_mem>>) {add = true}
      %mul3A_476 = arith.constant 80 : i32
      %mul3A_477 = arith.muli %add3A_447, %mul3A_476 : i32
      %add3A_478 = arith.constant 0 : i32
      %add3A_479 = arith.addi %mul3A_477, %add3A_478 : i32
      %get3A_480 = arith.index_cast %add3A_479 : i32 to index
      %get3A_481 = tpu.vector_load %arg9[%get3A_480] {strides = array<i32>} : memref<20000xi32, #tpu.memory_space<vmem>>, vector<16xi32>,
      tpu.vector_store_idx %arg10[%get3A_481], %broadcast_in_dim3A_1 {add = true} : memref<10240xf32, #tpu.memory_space<vmem>>[vector<16xi32>], vector<16xf32>,
      %mul3A_482 = arith.constant 80 : i32
      %mul3A_483 = arith.muli %add3A_447, %mul3A_482 : i32
      %add3A_484 = arith.constant 16 : i32
      %add3A_485 = arith.addi %mul3A_483, %add3A_484 : i32
      %get3A_486 = arith.index_cast %add3A_485 : i32 to index
      %get3A_487 = tpu.vector_load %arg9[%get3A_486] {strides = array<i32>} : memref<20000xi32, #tpu.memory_space<vmem>>, vector<16xi32>,
      tpu.vector_store_idx %arg10[%get3A_487], %broadcast_in_dim3A_1 {add = true} : memref<10240xf32, #tpu.memory_space<vmem>>[vector<16xi32>], vector<16xf32>,
      %mul3A_488 = arith.constant 80 : i32
      %mul3A_489 = arith.muli %add3A_447, %mul3A_488 : i32
      %add3A_490 = arith.constant 32 : i32
      %add3A_491 = arith.addi %mul3A_489, %add3A_490 : i32
      %get3A_492 = arith.index_cast %add3A_491 : i32 to index
      %get3A_493 = tpu.vector_load %arg9[%get3A_492] {strides = array<i32>} : memref<20000xi32, #tpu.memory_space<vmem>>, vector<16xi32>,
      tpu.vector_store_idx %arg10[%get3A_493], %broadcast_in_dim3A_1 {add = true} : memref<10240xf32, #tpu.memory_space<vmem>>[vector<16xi32>], vector<16xf32>,
      %mul3A_494 = arith.constant 80 : i32
      %mul3A_495 = arith.muli %add3A_447, %mul3A_494 : i32
      %add3A_496 = arith.constant 48 : i32
      %add3A_497 = arith.addi %mul3A_495, %add3A_496 : i32
      %get3A_498 = arith.index_cast %add3A_497 : i32 to index
      %get3A_499 = tpu.vector_load %arg9[%get3A_498] {strides = array<i32>} : memref<20000xi32, #tpu.memory_space<vmem>>, vector<16xi32>,
      tpu.vector_store_idx %arg10[%get3A_499], %broadcast_in_dim3A_1 {add = true} : memref<10240xf32, #tpu.memory_space<vmem>>[vector<16xi32>], vector<16xf32>,
      %mul3A_500 = arith.constant 80 : i32
      %mul3A_501 = arith.muli %add3A_447, %mul3A_500 : i32
      %add3A_502 = arith.constant 64 : i32
      %add3A_503 = arith.addi %mul3A_501, %add3A_502 : i32
      %get3A_504 = arith.index_cast %add3A_503 : i32 to index
      %get3A_505 = tpu.vector_load %arg9[%get3A_504] {strides = array<i32>} : memref<20000xi32, #tpu.memory_space<vmem>>, vector<16xi32>,
      tpu.vector_store_idx %arg10[%get3A_505], %broadcast_in_dim3A_1 {add = true} : memref<10240xf32, #tpu.memory_space<vmem>>[vector<16xi32>], vector<16xf32>,
      %mul3A_506 = arith.constant 5 : i32
      %mul3A_507 = arith.muli %scan3A_334, %mul3A_506 : i32
      %add3A_508 = arith.constant 3 : i32
      %add3A_509 = arith.addi %mul3A_507, %add3A_508 : i32
      %dma_wait3A_510 = arith.constant 0 : i32
      %dma_wait3A_511 = arith.constant 0 : i32
      %dma_wait3A_512 = tpu.memref_slice %arg11[%dma_wait3A_510, %dma_wait3A_511] : memref<10240x64xf32, #tpu.memory_space<vmem_shared>> -> memref<80x64xf32, #tpu.memory_space<vmem_shared>>
      %dma_wait3A_513 = arith.constant 0 : i32
      %dma_wait3A_514 = arith.constant 0 : i32
      %dma_wait3A_515 = tpu.memref_slice %arg11[%dma_wait3A_513, %dma_wait3A_514] : memref<10240x64xf32, #tpu.memory_space<vmem_shared>> -> memref<80x64xf32, #tpu.memory_space<vmem_shared>>
      tpu.wait_dma2 semaphore(%arg24 : memref<!tpu.dma_semaphore, #tpu.memory_space<semaphore_mem>>) src(%arg14 : memref<80x64xf32, #tpu.memory_space<vmem>>) dst(%dma_wait3A_515 : memref<80x64xf32, #tpu.memory_space<vmem_shared>>)
      %sub3A_516 = arith.constant 1 : i32
      %sub3A_517 = arith.subi %add3A_509, %sub3A_516 : i32
      %add3A_518 = arith.constant 5 : i32
      %add3A_519 = arith.addi %sub3A_517, %add3A_518 : i32
      %mul3A_520 = arith.constant 80 : i32
      %mul3A_521 = arith.muli %add3A_519, %mul3A_520 : i32
      %dma_start3A_522 = tpu.memref_slice %arg8[%mul3A_521] : memref<20000xi32, #tpu.memory_space<vmem>> -> memref<80xi32, #tpu.memory_space<vmem>>
      %dma_start3A_523 = arith.constant 0 : i32
      %dma_start3A_524 = arith.constant 0 : i32
      %dma_start3A_525 = tpu.memref_slice %arg2[%dma_start3A_523, %dma_start3A_524] : memref<20000x64xf32, #tpu.memory_space<hbm>> -> memref<20000x64xf32, #tpu.memory_space<hbm>>
      tpu.enqueue_indirect_dma source(%dma_start3A_525 : memref<20000x64xf32, #tpu.memory_space<hbm>>) target(%arg14 : memref<80x64xf32, #tpu.memory_space<vmem>>) offsets(%dma_start3A_522 : memref<80xi32, #tpu.memory_space<vmem>>) semaphore(%arg19 : memref<!tpu.dma_semaphore, #tpu.memory_space<semaphore_mem>>)
      %dma_wait3A_526 = arith.constant 0 : i32
      %dma_wait3A_527 = arith.constant 0 : i32
      %dma_wait3A_528 = tpu.memref_slice %arg2[%dma_wait3A_526, %dma_wait3A_527] : memref<20000x64xf32, #tpu.memory_space<hbm>> -> memref<80x64xf32, #tpu.memory_space<hbm>>
      %dma_wait3A_529 = arith.constant 0 : i32
      %dma_wait3A_530 = arith.constant 0 : i32
      %dma_wait3A_531 = tpu.memref_slice %arg2[%dma_wait3A_529, %dma_wait3A_530] : memref<20000x64xf32, #tpu.memory_space<hbm>> -> memref<80x64xf32, #tpu.memory_space<hbm>>
      tpu.wait_dma2 semaphore(%arg20 : memref<!tpu.dma_semaphore, #tpu.memory_space<semaphore_mem>>) src(%dma_wait3A_531 : memref<80x64xf32, #tpu.memory_space<hbm>>) dst(%arg15 : memref<80x64xf32, #tpu.memory_space<vmem>>)
      %mul3A_532 = arith.constant 80 : i32
      %mul3A_533 = arith.muli %add3A_509, %mul3A_532 : i32
      %dma_start3A_534 = tpu.memref_slice %arg9[%mul3A_533] : memref<20000xi32, #tpu.memory_space<vmem>> -> memref<80xi32, #tpu.memory_space<vmem>>
      %dma_start3A_535 = arith.constant 0 : i32
      %dma_start3A_536 = arith.constant 0 : i32
      %dma_start3A_537 = tpu.memref_slice %arg11[%dma_start3A_535, %dma_start3A_536] : memref<10240x64xf32, #tpu.memory_space<vmem_shared>> -> memref<10240x64xf32, #tpu.memory_space<vmem_shared>>
      tpu.enqueue_indirect_dma source(%arg15 : memref<80x64xf32, #tpu.memory_space<vmem>>) target(%dma_start3A_537 : memref<10240x64xf32, #tpu.memory_space<vmem_shared>>) offsets(%dma_start3A_534 : memref<80xi32, #tpu.memory_space<vmem>>) semaphore(%arg25 : memref<!tpu.dma_semaphore, #tpu.memory_space<semaphore_mem>>) {add = true}
      %mul3A_538 = arith.constant 80 : i32
      %mul3A_539 = arith.muli %add3A_509, %mul3A_538 : i32
      %add3A_540 = arith.constant 0 : i32
      %add3A_541 = arith.addi %mul3A_539, %add3A_540 : i32
      %get3A_542 = arith.index_cast %add3A_541 : i32 to index
      %get3A_543 = tpu.vector_load %arg9[%get3A_542] {strides = array<i32>} : memref<20000xi32, #tpu.memory_space<vmem>>, vector<16xi32>,
      tpu.vector_store_idx %arg10[%get3A_543], %broadcast_in_dim3A_1 {add = true} : memref<10240xf32, #tpu.memory_space<vmem>>[vector<16xi32>], vector<16xf32>,
      %mul3A_544 = arith.constant 80 : i32
      %mul3A_545 = arith.muli %add3A_509, %mul3A_544 : i32
      %add3A_546 = arith.constant 16 : i32
      %add3A_547 = arith.addi %mul3A_545, %add3A_546 : i32
      %get3A_548 = arith.index_cast %add3A_547 : i32 to index
      %get3A_549 = tpu.vector_load %arg9[%get3A_548] {strides = array<i32>} : memref<20000xi32, #tpu.memory_space<vmem>>, vector<16xi32>,
      tpu.vector_store_idx %arg10[%get3A_549], %broadcast_in_dim3A_1 {add = true} : memref<10240xf32, #tpu.memory_space<vmem>>[vector<16xi32>], vector<16xf32>,
      %mul3A_550 = arith.constant 80 : i32
      %mul3A_551 = arith.muli %add3A_509, %mul3A_550 : i32
      %add3A_552 = arith.constant 32 : i32
      %add3A_553 = arith.addi %mul3A_551, %add3A_552 : i32
      %get3A_554 = arith.index_cast %add3A_553 : i32 to index
      %get3A_555 = tpu.vector_load %arg9[%get3A_554] {strides = array<i32>} : memref<20000xi32, #tpu.memory_space<vmem>>, vector<16xi32>,
      tpu.vector_store_idx %arg10[%get3A_555], %broadcast_in_dim3A_1 {add = true} : memref<10240xf32, #tpu.memory_space<vmem>>[vector<16xi32>], vector<16xf32>,
      %mul3A_556 = arith.constant 80 : i32
      %mul3A_557 = arith.muli %add3A_509, %mul3A_556 : i32
      %add3A_558 = arith.constant 48 : i32
      %add3A_559 = arith.addi %mul3A_557, %add3A_558 : i32
      %get3A_560 = arith.index_cast %add3A_559 : i32 to index
      %get3A_561 = tpu.vector_load %arg9[%get3A_560] {strides = array<i32>} : memref<20000xi32, #tpu.memory_space<vmem>>, vector<16xi32>,
      tpu.vector_store_idx %arg10[%get3A_561], %broadcast_in_dim3A_1 {add = true} : memref<10240xf32, #tpu.memory_space<vmem>>[vector<16xi32>], vector<16xf32>,
      %mul3A_562 = arith.constant 80 : i32
      %mul3A_563 = arith.muli %add3A_509, %mul3A_562 : i32
      %add3A_564 = arith.constant 64 : i32
      %add3A_565 = arith.addi %mul3A_563, %add3A_564 : i32
      %get3A_566 = arith.index_cast %add3A_565 : i32 to index
      %get3A_567 = tpu.vector_load %arg9[%get3A_566] {strides = array<i32>} : memref<20000xi32, #tpu.memory_space<vmem>>, vector<16xi32>,
      tpu.vector_store_idx %arg10[%get3A_567], %broadcast_in_dim3A_1 {add = true} : memref<10240xf32, #tpu.memory_space<vmem>>[vector<16xi32>], vector<16xf32>,
      %mul3A_568 = arith.constant 5 : i32
      %mul3A_569 = arith.muli %scan3A_334, %mul3A_568 : i32
      %add3A_570 = arith.constant 4 : i32
      %add3A_571 = arith.addi %mul3A_569, %add3A_570 : i32
      %dma_wait3A_572 = arith.constant 0 : i32
      %dma_wait3A_573 = arith.constant 0 : i32
      %dma_wait3A_574 = tpu.memref_slice %arg11[%dma_wait3A_572, %dma_wait3A_573] : memref<10240x64xf32, #tpu.memory_space<vmem_shared>> -> memref<80x64xf32, #tpu.memory_space<vmem_shared>>
      %dma_wait3A_575 = arith.constant 0 : i32
      %dma_wait3A_576 = arith.constant 0 : i32
      %dma_wait3A_577 = tpu.memref_slice %arg11[%dma_wait3A_575, %dma_wait3A_576] : memref<10240x64xf32, #tpu.memory_space<vmem_shared>> -> memref<80x64xf32, #tpu.memory_space<vmem_shared>>
      tpu.wait_dma2 semaphore(%arg25 : memref<!tpu.dma_semaphore, #tpu.memory_space<semaphore_mem>>) src(%arg15 : memref<80x64xf32, #tpu.memory_space<vmem>>) dst(%dma_wait3A_577 : memref<80x64xf32, #tpu.memory_space<vmem_shared>>)
      %sub3A_578 = arith.constant 1 : i32
      %sub3A_579 = arith.subi %add3A_571, %sub3A_578 : i32
      %add3A_580 = arith.constant 5 : i32
      %add3A_581 = arith.addi %sub3A_579, %add3A_580 : i32
      %mul3A_582 = arith.constant 80 : i32
      %mul3A_583 = arith.muli %add3A_581, %mul3A_582 : i32
      %dma_start3A_584 = tpu.memref_slice %arg8[%mul3A_583] : memref<20000xi32, #tpu.memory_space<vmem>> -> memref<80xi32, #tpu.memory_space<vmem>>
      %dma_start3A_585 = arith.constant 0 : i32
      %dma_start3A_586 = arith.constant 0 : i32
      %dma_start3A_587 = tpu.memref_slice %arg2[%dma_start3A_585, %dma_start3A_586] : memref<20000x64xf32, #tpu.memory_space<hbm>> -> memref<20000x64xf32, #tpu.memory_space<hbm>>
      tpu.enqueue_indirect_dma source(%dma_start3A_587 : memref<20000x64xf32, #tpu.memory_space<hbm>>) target(%arg15 : memref<80x64xf32, #tpu.memory_space<vmem>>) offsets(%dma_start3A_584 : memref<80xi32, #tpu.memory_space<vmem>>) semaphore(%arg20 : memref<!tpu.dma_semaphore, #tpu.memory_space<semaphore_mem>>)
      %dma_wait3A_588 = arith.constant 0 : i32
      %dma_wait3A_589 = arith.constant 0 : i32
      %dma_wait3A_590 = tpu.memref_slice %arg2[%dma_wait3A_588, %dma_wait3A_589] : memref<20000x64xf32, #tpu.memory_space<hbm>> -> memref<80x64xf32, #tpu.memory_space<hbm>>
      %dma_wait3A_591 = arith.constant 0 : i32
      %dma_wait3A_592 = arith.constant 0 : i32
      %dma_wait3A_593 = tpu.memref_slice %arg2[%dma_wait3A_591, %dma_wait3A_592] : memref<20000x64xf32, #tpu.memory_space<hbm>> -> memref<80x64xf32, #tpu.memory_space<hbm>>
      tpu.wait_dma2 semaphore(%arg21 : memref<!tpu.dma_semaphore, #tpu.memory_space<semaphore_mem>>) src(%dma_wait3A_593 : memref<80x64xf32, #tpu.memory_space<hbm>>) dst(%arg16 : memref<80x64xf32, #tpu.memory_space<vmem>>)
      %mul3A_594 = arith.constant 80 : i32
      %mul3A_595 = arith.muli %add3A_571, %mul3A_594 : i32
      %dma_start3A_596 = tpu.memref_slice %arg9[%mul3A_595] : memref<20000xi32, #tpu.memory_space<vmem>> -> memref<80xi32, #tpu.memory_space<vmem>>
      %dma_start3A_597 = arith.constant 0 : i32
      %dma_start3A_598 = arith.constant 0 : i32
      %dma_start3A_599 = tpu.memref_slice %arg11[%dma_start3A_597, %dma_start3A_598] : memref<10240x64xf32, #tpu.memory_space<vmem_shared>> -> memref<10240x64xf32, #tpu.memory_space<vmem_shared>>
      tpu.enqueue_indirect_dma source(%arg16 : memref<80x64xf32, #tpu.memory_space<vmem>>) target(%dma_start3A_599 : memref<10240x64xf32, #tpu.memory_space<vmem_shared>>) offsets(%dma_start3A_596 : memref<80xi32, #tpu.memory_space<vmem>>) semaphore(%arg26 : memref<!tpu.dma_semaphore, #tpu.memory_space<semaphore_mem>>) {add = true}
      %mul3A_600 = arith.constant 80 : i32
      %mul3A_601 = arith.muli %add3A_571, %mul3A_600 : i32
      %add3A_602 = arith.constant 0 : i32
      %add3A_603 = arith.addi %mul3A_601, %add3A_602 : i32
      %get3A_604 = arith.index_cast %add3A_603 : i32 to index
      %get3A_605 = tpu.vector_load %arg9[%get3A_604] {strides = array<i32>} : memref<20000xi32, #tpu.memory_space<vmem>>, vector<16xi32>,
      tpu.vector_store_idx %arg10[%get3A_605], %broadcast_in_dim3A_1 {add = true} : memref<10240xf32, #tpu.memory_space<vmem>>[vector<16xi32>], vector<16xf32>,
      %mul3A_606 = arith.constant 80 : i32
      %mul3A_607 = arith.muli %add3A_571, %mul3A_606 : i32
      %add3A_608 = arith.constant 16 : i32
      %add3A_609 = arith.addi %mul3A_607, %add3A_608 : i32
      %get3A_610 = arith.index_cast %add3A_609 : i32 to index
      %get3A_611 = tpu.vector_load %arg9[%get3A_610] {strides = array<i32>} : memref<20000xi32, #tpu.memory_space<vmem>>, vector<16xi32>,
      tpu.vector_store_idx %arg10[%get3A_611], %broadcast_in_dim3A_1 {add = true} : memref<10240xf32, #tpu.memory_space<vmem>>[vector<16xi32>], vector<16xf32>,
      %mul3A_612 = arith.constant 80 : i32
      %mul3A_613 = arith.muli %add3A_571, %mul3A_612 : i32
      %add3A_614 = arith.constant 32 : i32
      %add3A_615 = arith.addi %mul3A_613, %add3A_614 : i32
      %get3A_616 = arith.index_cast %add3A_615 : i32 to index
      %get3A_617 = tpu.vector_load %arg9[%get3A_616] {strides = array<i32>} : memref<20000xi32, #tpu.memory_space<vmem>>, vector<16xi32>,
      tpu.vector_store_idx %arg10[%get3A_617], %broadcast_in_dim3A_1 {add = true} : memref<10240xf32, #tpu.memory_space<vmem>>[vector<16xi32>], vector<16xf32>,
      %mul3A_618 = arith.constant 80 : i32
      %mul3A_619 = arith.muli %add3A_571, %mul3A_618 : i32
      %add3A_620 = arith.constant 48 : i32
      %add3A_621 = arith.addi %mul3A_619, %add3A_620 : i32
      %get3A_622 = arith.index_cast %add3A_621 : i32 to index
      %get3A_623 = tpu.vector_load %arg9[%get3A_622] {strides = array<i32>} : memref<20000xi32, #tpu.memory_space<vmem>>, vector<16xi32>,
      tpu.vector_store_idx %arg10[%get3A_623], %broadcast_in_dim3A_1 {add = true} : memref<10240xf32, #tpu.memory_space<vmem>>[vector<16xi32>], vector<16xf32>,
      %mul3A_624 = arith.constant 80 : i32
      %mul3A_625 = arith.muli %add3A_571, %mul3A_624 : i32
      %add3A_626 = arith.constant 64 : i32
      %add3A_627 = arith.addi %mul3A_625, %add3A_626 : i32
      %get3A_628 = arith.index_cast %add3A_627 : i32 to index
      %get3A_629 = tpu.vector_load %arg9[%get3A_628] {strides = array<i32>} : memref<20000xi32, #tpu.memory_space<vmem>>, vector<16xi32>,
      tpu.vector_store_idx %arg10[%get3A_629], %broadcast_in_dim3A_1 {add = true} : memref<10240xf32, #tpu.memory_space<vmem>>[vector<16xi32>], vector<16xf32>,
    }
    %scan3A_41 = arith.constant 49 : i32
    %dma_wait3A = arith.constant 0 : i32
    %dma_wait3A_42 = arith.constant 0 : i32
    %dma_wait3A_43 = tpu.memref_slice %arg11[%dma_wait3A, %dma_wait3A_42] : memref<10240x64xf32, #tpu.memory_space<vmem_shared>> -> memref<80x64xf32, #tpu.memory_space<vmem_shared>>
    %dma_wait3A_44 = arith.constant 0 : i32
    %dma_wait3A_45 = arith.constant 0 : i32
    %dma_wait3A_46 = tpu.memref_slice %arg11[%dma_wait3A_44, %dma_wait3A_45] : memref<10240x64xf32, #tpu.memory_space<vmem_shared>> -> memref<80x64xf32, #tpu.memory_space<vmem_shared>>
    tpu.wait_dma2 semaphore(%arg26 : memref<!tpu.dma_semaphore, #tpu.memory_space<semaphore_mem>>) src(%arg16 : memref<80x64xf32, #tpu.memory_space<vmem>>) dst(%dma_wait3A_46 : memref<80x64xf32, #tpu.memory_space<vmem_shared>>)
    %dma_start3A_47 = arith.constant 19920 : i32
    %dma_start3A_48 = tpu.memref_slice %arg8[%dma_start3A_47] : memref<20000xi32, #tpu.memory_space<vmem>> -> memref<80xi32, #tpu.memory_space<vmem>>
    %dma_start3A_49 = arith.constant 0 : i32
    %dma_start3A_50 = arith.constant 0 : i32
    %dma_start3A_51 = tpu.memref_slice %arg2[%dma_start3A_49, %dma_start3A_50] : memref<20000x64xf32, #tpu.memory_space<hbm>> -> memref<20000x64xf32, #tpu.memory_space<hbm>>
    tpu.enqueue_indirect_dma source(%dma_start3A_51 : memref<20000x64xf32, #tpu.memory_space<hbm>>) target(%arg16 : memref<80x64xf32, #tpu.memory_space<vmem>>) offsets(%dma_start3A_48 : memref<80xi32, #tpu.memory_space<vmem>>) semaphore(%arg21 : memref<!tpu.dma_semaphore, #tpu.memory_space<semaphore_mem>>)
    %dma_wait3A_52 = arith.constant 0 : i32
    %dma_wait3A_53 = arith.constant 0 : i32
    %dma_wait3A_54 = tpu.memref_slice %arg2[%dma_wait3A_52, %dma_wait3A_53] : memref<20000x64xf32, #tpu.memory_space<hbm>> -> memref<80x64xf32, #tpu.memory_space<hbm>>
    %dma_wait3A_55 = arith.constant 0 : i32
    %dma_wait3A_56 = arith.constant 0 : i32
    %dma_wait3A_57 = tpu.memref_slice %arg2[%dma_wait3A_55, %dma_wait3A_56] : memref<20000x64xf32, #tpu.memory_space<hbm>> -> memref<80x64xf32, #tpu.memory_space<hbm>>
    tpu.wait_dma2 semaphore(%arg17 : memref<!tpu.dma_semaphore, #tpu.memory_space<semaphore_mem>>) src(%dma_wait3A_57 : memref<80x64xf32, #tpu.memory_space<hbm>>) dst(%arg12 : memref<80x64xf32, #tpu.memory_space<vmem>>)
    %dma_start3A_58 = arith.constant 19600 : i32
    %dma_start3A_59 = tpu.memref_slice %arg9[%dma_start3A_58] : memref<20000xi32, #tpu.memory_space<vmem>> -> memref<80xi32, #tpu.memory_space<vmem>>
    %dma_start3A_60 = arith.constant 0 : i32
    %dma_start3A_61 = arith.constant 0 : i32
    %dma_start3A_62 = tpu.memref_slice %arg11[%dma_start3A_60, %dma_start3A_61] : memref<10240x64xf32, #tpu.memory_space<vmem_shared>> -> memref<10240x64xf32, #tpu.memory_space<vmem_shared>>
    tpu.enqueue_indirect_dma source(%arg12 : memref<80x64xf32, #tpu.memory_space<vmem>>) target(%dma_start3A_62 : memref<10240x64xf32, #tpu.memory_space<vmem_shared>>) offsets(%dma_start3A_59 : memref<80xi32, #tpu.memory_space<vmem>>) semaphore(%arg22 : memref<!tpu.dma_semaphore, #tpu.memory_space<semaphore_mem>>) {add = true}
    %get3A = arith.constant 19600 : index
    %get3A_63 = tpu.vector_load %arg9[%get3A] {strides = array<i32>} : memref<20000xi32, #tpu.memory_space<vmem>>, vector<16xi32>,
    tpu.vector_store_idx %arg10[%get3A_63], %broadcast_in_dim3A_1 {add = true} : memref<10240xf32, #tpu.memory_space<vmem>>[vector<16xi32>], vector<16xf32>,
    %get3A_64 = arith.constant 19616 : index
    %get3A_65 = tpu.vector_load %arg9[%get3A_64] {strides = array<i32>} : memref<20000xi32, #tpu.memory_space<vmem>>, vector<16xi32>,
    tpu.vector_store_idx %arg10[%get3A_65], %broadcast_in_dim3A_1 {add = true} : memref<10240xf32, #tpu.memory_space<vmem>>[vector<16xi32>], vector<16xf32>,
    %get3A_66 = arith.constant 19632 : index
    %get3A_67 = tpu.vector_load %arg9[%get3A_66] {strides = array<i32>} : memref<20000xi32, #tpu.memory_space<vmem>>, vector<16xi32>,
    tpu.vector_store_idx %arg10[%get3A_67], %broadcast_in_dim3A_1 {add = true} : memref<10240xf32, #tpu.memory_space<vmem>>[vector<16xi32>], vector<16xf32>,
    %get3A_68 = arith.constant 19648 : index
    %get3A_69 = tpu.vector_load %arg9[%get3A_68] {strides = array<i32>} : memref<20000xi32, #tpu.memory_space<vmem>>, vector<16xi32>,
    tpu.vector_store_idx %arg10[%get3A_69], %broadcast_in_dim3A_1 {add = true} : memref<10240xf32, #tpu.memory_space<vmem>>[vector<16xi32>], vector<16xf32>,
    %get3A_70 = arith.constant 19664 : index
    %get3A_71 = tpu.vector_load %arg9[%get3A_70] {strides = array<i32>} : memref<20000xi32, #tpu.memory_space<vmem>>, vector<16xi32>,
    tpu.vector_store_idx %arg10[%get3A_71], %broadcast_in_dim3A_1 {add = true} : memref<10240xf32, #tpu.memory_space<vmem>>[vector<16xi32>], vector<16xf32>,
    %dma_wait3A_72 = arith.constant 0 : i32
    %dma_wait3A_73 = arith.constant 0 : i32
    %dma_wait3A_74 = tpu.memref_slice %arg11[%dma_wait3A_72, %dma_wait3A_73] : memref<10240x64xf32, #tpu.memory_space<vmem_shared>> -> memref<80x64xf32, #tpu.memory_space<vmem_shared>>
    %dma_wait3A_75 = arith.constant 0 : i32
    %dma_wait3A_76 = arith.constant 0 : i32
    %dma_wait3A_77 = tpu.memref_slice %arg11[%dma_wait3A_75, %dma_wait3A_76] : memref<10240x64xf32, #tpu.memory_space<vmem_shared>> -> memref<80x64xf32, #tpu.memory_space<vmem_shared>>
    tpu.wait_dma2 semaphore(%arg22 : memref<!tpu.dma_semaphore, #tpu.memory_space<semaphore_mem>>) src(%arg12 : memref<80x64xf32, #tpu.memory_space<vmem>>) dst(%dma_wait3A_77 : memref<80x64xf32, #tpu.memory_space<vmem_shared>>)
    %dma_wait3A_78 = arith.constant 0 : i32
    %dma_wait3A_79 = arith.constant 0 : i32
    %dma_wait3A_80 = tpu.memref_slice %arg2[%dma_wait3A_78, %dma_wait3A_79] : memref<20000x64xf32, #tpu.memory_space<hbm>> -> memref<80x64xf32, #tpu.memory_space<hbm>>
    %dma_wait3A_81 = arith.constant 0 : i32
    %dma_wait3A_82 = arith.constant 0 : i32
    %dma_wait3A_83 = tpu.memref_slice %arg2[%dma_wait3A_81, %dma_wait3A_82] : memref<20000x64xf32, #tpu.memory_space<hbm>> -> memref<80x64xf32, #tpu.memory_space<hbm>>
    tpu.wait_dma2 semaphore(%arg18 : memref<!tpu.dma_semaphore, #tpu.memory_space<semaphore_mem>>) src(%dma_wait3A_83 : memref<80x64xf32, #tpu.memory_space<hbm>>) dst(%arg13 : memref<80x64xf32, #tpu.memory_space<vmem>>)
    %dma_start3A_84 = arith.constant 19680 : i32
    %dma_start3A_85 = tpu.memref_slice %arg9[%dma_start3A_84] : memref<20000xi32, #tpu.memory_space<vmem>> -> memref<80xi32, #tpu.memory_space<vmem>>
    %dma_start3A_86 = arith.constant 0 : i32
    %dma_start3A_87 = arith.constant 0 : i32
    %dma_start3A_88 = tpu.memref_slice %arg11[%dma_start3A_86, %dma_start3A_87] : memref<10240x64xf32, #tpu.memory_space<vmem_shared>> -> memref<10240x64xf32, #tpu.memory_space<vmem_shared>>
    tpu.enqueue_indirect_dma source(%arg13 : memref<80x64xf32, #tpu.memory_space<vmem>>) target(%dma_start3A_88 : memref<10240x64xf32, #tpu.memory_space<vmem_shared>>) offsets(%dma_start3A_85 : memref<80xi32, #tpu.memory_space<vmem>>) semaphore(%arg23 : memref<!tpu.dma_semaphore, #tpu.memory_space<semaphore_mem>>) {add = true}
    %get3A_89 = arith.constant 19680 : index
    %get3A_90 = tpu.vector_load %arg9[%get3A_89] {strides = array<i32>} : memref<20000xi32, #tpu.memory_space<vmem>>, vector<16xi32>,
    tpu.vector_store_idx %arg10[%get3A_90], %broadcast_in_dim3A_1 {add = true} : memref<10240xf32, #tpu.memory_space<vmem>>[vector<16xi32>], vector<16xf32>,
    %get3A_91 = arith.constant 19696 : index
    %get3A_92 = tpu.vector_load %arg9[%get3A_91] {strides = array<i32>} : memref<20000xi32, #tpu.memory_space<vmem>>, vector<16xi32>,
    tpu.vector_store_idx %arg10[%get3A_92], %broadcast_in_dim3A_1 {add = true} : memref<10240xf32, #tpu.memory_space<vmem>>[vector<16xi32>], vector<16xf32>,
    %get3A_93 = arith.constant 19712 : index
    %get3A_94 = tpu.vector_load %arg9[%get3A_93] {strides = array<i32>} : memref<20000xi32, #tpu.memory_space<vmem>>, vector<16xi32>,
    tpu.vector_store_idx %arg10[%get3A_94], %broadcast_in_dim3A_1 {add = true} : memref<10240xf32, #tpu.memory_space<vmem>>[vector<16xi32>], vector<16xf32>,
    %get3A_95 = arith.constant 19728 : index
    %get3A_96 = tpu.vector_load %arg9[%get3A_95] {strides = array<i32>} : memref<20000xi32, #tpu.memory_space<vmem>>, vector<16xi32>,
    tpu.vector_store_idx %arg10[%get3A_96], %broadcast_in_dim3A_1 {add = true} : memref<10240xf32, #tpu.memory_space<vmem>>[vector<16xi32>], vector<16xf32>,
    %get3A_97 = arith.constant 19744 : index
    %get3A_98 = tpu.vector_load %arg9[%get3A_97] {strides = array<i32>} : memref<20000xi32, #tpu.memory_space<vmem>>, vector<16xi32>,
    tpu.vector_store_idx %arg10[%get3A_98], %broadcast_in_dim3A_1 {add = true} : memref<10240xf32, #tpu.memory_space<vmem>>[vector<16xi32>], vector<16xf32>,
    %dma_wait3A_99 = arith.constant 0 : i32
    %dma_wait3A_100 = arith.constant 0 : i32
    %dma_wait3A_101 = tpu.memref_slice %arg11[%dma_wait3A_99, %dma_wait3A_100] : memref<10240x64xf32, #tpu.memory_space<vmem_shared>> -> memref<80x64xf32, #tpu.memory_space<vmem_shared>>
    %dma_wait3A_102 = arith.constant 0 : i32
    %dma_wait3A_103 = arith.constant 0 : i32
    %dma_wait3A_104 = tpu.memref_slice %arg11[%dma_wait3A_102, %dma_wait3A_103] : memref<10240x64xf32, #tpu.memory_space<vmem_shared>> -> memref<80x64xf32, #tpu.memory_space<vmem_shared>>
    tpu.wait_dma2 semaphore(%arg23 : memref<!tpu.dma_semaphore, #tpu.memory_space<semaphore_mem>>) src(%arg13 : memref<80x64xf32, #tpu.memory_space<vmem>>) dst(%dma_wait3A_104 : memref<80x64xf32, #tpu.memory_space<vmem_shared>>)
    %dma_wait3A_105 = arith.constant 0 : i32
    %dma_wait3A_106 = arith.constant 0 : i32
    %dma_wait3A_107 = tpu.memref_slice %arg2[%dma_wait3A_105, %dma_wait3A_106] : memref<20000x64xf32, #tpu.memory_space<hbm>> -> memref<80x64xf32, #tpu.memory_space<hbm>>
    %dma_wait3A_108 = arith.constant 0 : i32
    %dma_wait3A_109 = arith.constant 0 : i32
    %dma_wait3A_110 = tpu.memref_slice %arg2[%dma_wait3A_108, %dma_wait3A_109] : memref<20000x64xf32, #tpu.memory_space<hbm>> -> memref<80x64xf32, #tpu.memory_space<hbm>>
    tpu.wait_dma2 semaphore(%arg19 : memref<!tpu.dma_semaphore, #tpu.memory_space<semaphore_mem>>) src(%dma_wait3A_110 : memref<80x64xf32, #tpu.memory_space<hbm>>) dst(%arg14 : memref<80x64xf32, #tpu.memory_space<vmem>>)
    %dma_start3A_111 = arith.constant 19760 : i32
    %dma_start3A_112 = tpu.memref_slice %arg9[%dma_start3A_111] : memref<20000xi32, #tpu.memory_space<vmem>> -> memref<80xi32, #tpu.memory_space<vmem>>
    %dma_start3A_113 = arith.constant 0 : i32
    %dma_start3A_114 = arith.constant 0 : i32
    %dma_start3A_115 = tpu.memref_slice %arg11[%dma_start3A_113, %dma_start3A_114] : memref<10240x64xf32, #tpu.memory_space<vmem_shared>> -> memref<10240x64xf32, #tpu.memory_space<vmem_shared>>
    tpu.enqueue_indirect_dma source(%arg14 : memref<80x64xf32, #tpu.memory_space<vmem>>) target(%dma_start3A_115 : memref<10240x64xf32, #tpu.memory_space<vmem_shared>>) offsets(%dma_start3A_112 : memref<80xi32, #tpu.memory_space<vmem>>) semaphore(%arg24 : memref<!tpu.dma_semaphore, #tpu.memory_space<semaphore_mem>>) {add = true}
    %get3A_116 = arith.constant 19760 : index
    %get3A_117 = tpu.vector_load %arg9[%get3A_116] {strides = array<i32>} : memref<20000xi32, #tpu.memory_space<vmem>>, vector<16xi32>,
    tpu.vector_store_idx %arg10[%get3A_117], %broadcast_in_dim3A_1 {add = true} : memref<10240xf32, #tpu.memory_space<vmem>>[vector<16xi32>], vector<16xf32>,
    %get3A_118 = arith.constant 19776 : index
    %get3A_119 = tpu.vector_load %arg9[%get3A_118] {strides = array<i32>} : memref<20000xi32, #tpu.memory_space<vmem>>, vector<16xi32>,
    tpu.vector_store_idx %arg10[%get3A_119], %broadcast_in_dim3A_1 {add = true} : memref<10240xf32, #tpu.memory_space<vmem>>[vector<16xi32>], vector<16xf32>,
    %get3A_120 = arith.constant 19792 : index
    %get3A_121 = tpu.vector_load %arg9[%get3A_120] {strides = array<i32>} : memref<20000xi32, #tpu.memory_space<vmem>>, vector<16xi32>,
    tpu.vector_store_idx %arg10[%get3A_121], %broadcast_in_dim3A_1 {add = true} : memref<10240xf32, #tpu.memory_space<vmem>>[vector<16xi32>], vector<16xf32>,
    %get3A_122 = arith.constant 19808 : index
    %get3A_123 = tpu.vector_load %arg9[%get3A_122] {strides = array<i32>} : memref<20000xi32, #tpu.memory_space<vmem>>, vector<16xi32>,
    tpu.vector_store_idx %arg10[%get3A_123], %broadcast_in_dim3A_1 {add = true} : memref<10240xf32, #tpu.memory_space<vmem>>[vector<16xi32>], vector<16xf32>,
    %get3A_124 = arith.constant 19824 : index
    %get3A_125 = tpu.vector_load %arg9[%get3A_124] {strides = array<i32>} : memref<20000xi32, #tpu.memory_space<vmem>>, vector<16xi32>,
    tpu.vector_store_idx %arg10[%get3A_125], %broadcast_in_dim3A_1 {add = true} : memref<10240xf32, #tpu.memory_space<vmem>>[vector<16xi32>], vector<16xf32>,
    %dma_wait3A_126 = arith.constant 0 : i32
    %dma_wait3A_127 = arith.constant 0 : i32
    %dma_wait3A_128 = tpu.memref_slice %arg11[%dma_wait3A_126, %dma_wait3A_127] : memref<10240x64xf32, #tpu.memory_space<vmem_shared>> -> memref<80x64xf32, #tpu.memory_space<vmem_shared>>
    %dma_wait3A_129 = arith.constant 0 : i32
    %dma_wait3A_130 = arith.constant 0 : i32
    %dma_wait3A_131 = tpu.memref_slice %arg11[%dma_wait3A_129, %dma_wait3A_130] : memref<10240x64xf32, #tpu.memory_space<vmem_shared>> -> memref<80x64xf32, #tpu.memory_space<vmem_shared>>
    tpu.wait_dma2 semaphore(%arg24 : memref<!tpu.dma_semaphore, #tpu.memory_space<semaphore_mem>>) src(%arg14 : memref<80x64xf32, #tpu.memory_space<vmem>>) dst(%dma_wait3A_131 : memref<80x64xf32, #tpu.memory_space<vmem_shared>>)
    %dma_wait3A_132 = arith.constant 0 : i32
    %dma_wait3A_133 = arith.constant 0 : i32
    %dma_wait3A_134 = tpu.memref_slice %arg2[%dma_wait3A_132, %dma_wait3A_133] : memref<20000x64xf32, #tpu.memory_space<hbm>> -> memref<80x64xf32, #tpu.memory_space<hbm>>
    %dma_wait3A_135 = arith.constant 0 : i32
    %dma_wait3A_136 = arith.constant 0 : i32
    %dma_wait3A_137 = tpu.memref_slice %arg2[%dma_wait3A_135, %dma_wait3A_136] : memref<20000x64xf32, #tpu.memory_space<hbm>> -> memref<80x64xf32, #tpu.memory_space<hbm>>
    tpu.wait_dma2 semaphore(%arg20 : memref<!tpu.dma_semaphore, #tpu.memory_space<semaphore_mem>>) src(%dma_wait3A_137 : memref<80x64xf32, #tpu.memory_space<hbm>>) dst(%arg15 : memref<80x64xf32, #tpu.memory_space<vmem>>)
    %dma_start3A_138 = arith.constant 19840 : i32
    %dma_start3A_139 = tpu.memref_slice %arg9[%dma_start3A_138] : memref<20000xi32, #tpu.memory_space<vmem>> -> memref<80xi32, #tpu.memory_space<vmem>>
    %dma_start3A_140 = arith.constant 0 : i32
    %dma_start3A_141 = arith.constant 0 : i32
    %dma_start3A_142 = tpu.memref_slice %arg11[%dma_start3A_140, %dma_start3A_141] : memref<10240x64xf32, #tpu.memory_space<vmem_shared>> -> memref<10240x64xf32, #tpu.memory_space<vmem_shared>>
    tpu.enqueue_indirect_dma source(%arg15 : memref<80x64xf32, #tpu.memory_space<vmem>>) target(%dma_start3A_142 : memref<10240x64xf32, #tpu.memory_space<vmem_shared>>) offsets(%dma_start3A_139 : memref<80xi32, #tpu.memory_space<vmem>>) semaphore(%arg25 : memref<!tpu.dma_semaphore, #tpu.memory_space<semaphore_mem>>) {add = true}
    %get3A_143 = arith.constant 19840 : index
    %get3A_144 = tpu.vector_load %arg9[%get3A_143] {strides = array<i32>} : memref<20000xi32, #tpu.memory_space<vmem>>, vector<16xi32>,
    tpu.vector_store_idx %arg10[%get3A_144], %broadcast_in_dim3A_1 {add = true} : memref<10240xf32, #tpu.memory_space<vmem>>[vector<16xi32>], vector<16xf32>,
    %get3A_145 = arith.constant 19856 : index
    %get3A_146 = tpu.vector_load %arg9[%get3A_145] {strides = array<i32>} : memref<20000xi32, #tpu.memory_space<vmem>>, vector<16xi32>,
    tpu.vector_store_idx %arg10[%get3A_146], %broadcast_in_dim3A_1 {add = true} : memref<10240xf32, #tpu.memory_space<vmem>>[vector<16xi32>], vector<16xf32>,
    %get3A_147 = arith.constant 19872 : index
    %get3A_148 = tpu.vector_load %arg9[%get3A_147] {strides = array<i32>} : memref<20000xi32, #tpu.memory_space<vmem>>, vector<16xi32>,
    tpu.vector_store_idx %arg10[%get3A_148], %broadcast_in_dim3A_1 {add = true} : memref<10240xf32, #tpu.memory_space<vmem>>[vector<16xi32>], vector<16xf32>,
    %get3A_149 = arith.constant 19888 : index
    %get3A_150 = tpu.vector_load %arg9[%get3A_149] {strides = array<i32>} : memref<20000xi32, #tpu.memory_space<vmem>>, vector<16xi32>,
    tpu.vector_store_idx %arg10[%get3A_150], %broadcast_in_dim3A_1 {add = true} : memref<10240xf32, #tpu.memory_space<vmem>>[vector<16xi32>], vector<16xf32>,
    %get3A_151 = arith.constant 19904 : index
    %get3A_152 = tpu.vector_load %arg9[%get3A_151] {strides = array<i32>} : memref<20000xi32, #tpu.memory_space<vmem>>, vector<16xi32>,
    tpu.vector_store_idx %arg10[%get3A_152], %broadcast_in_dim3A_1 {add = true} : memref<10240xf32, #tpu.memory_space<vmem>>[vector<16xi32>], vector<16xf32>,
    %dma_wait3A_153 = arith.constant 0 : i32
    %dma_wait3A_154 = arith.constant 0 : i32
    %dma_wait3A_155 = tpu.memref_slice %arg11[%dma_wait3A_153, %dma_wait3A_154] : memref<10240x64xf32, #tpu.memory_space<vmem_shared>> -> memref<80x64xf32, #tpu.memory_space<vmem_shared>>
    %dma_wait3A_156 = arith.constant 0 : i32
    %dma_wait3A_157 = arith.constant 0 : i32
    %dma_wait3A_158 = tpu.memref_slice %arg11[%dma_wait3A_156, %dma_wait3A_157] : memref<10240x64xf32, #tpu.memory_space<vmem_shared>> -> memref<80x64xf32, #tpu.memory_space<vmem_shared>>
    tpu.wait_dma2 semaphore(%arg25 : memref<!tpu.dma_semaphore, #tpu.memory_space<semaphore_mem>>) src(%arg15 : memref<80x64xf32, #tpu.memory_space<vmem>>) dst(%dma_wait3A_158 : memref<80x64xf32, #tpu.memory_space<vmem_shared>>)
    %dma_wait3A_159 = arith.constant 0 : i32
    %dma_wait3A_160 = arith.constant 0 : i32
    %dma_wait3A_161 = tpu.memref_slice %arg2[%dma_wait3A_159, %dma_wait3A_160] : memref<20000x64xf32, #tpu.memory_space<hbm>> -> memref<80x64xf32, #tpu.memory_space<hbm>>
    %dma_wait3A_162 = arith.constant 0 : i32
    %dma_wait3A_163 = arith.constant 0 : i32
    %dma_wait3A_164 = tpu.memref_slice %arg2[%dma_wait3A_162, %dma_wait3A_163] : memref<20000x64xf32, #tpu.memory_space<hbm>> -> memref<80x64xf32, #tpu.memory_space<hbm>>
    tpu.wait_dma2 semaphore(%arg21 : memref<!tpu.dma_semaphore, #tpu.memory_space<semaphore_mem>>) src(%dma_wait3A_164 : memref<80x64xf32, #tpu.memory_space<hbm>>) dst(%arg16 : memref<80x64xf32, #tpu.memory_space<vmem>>)
    %dma_start3A_165 = arith.constant 19920 : i32
    %dma_start3A_166 = tpu.memref_slice %arg9[%dma_start3A_165] : memref<20000xi32, #tpu.memory_space<vmem>> -> memref<80xi32, #tpu.memory_space<vmem>>
    %dma_start3A_167 = arith.constant 0 : i32
    %dma_start3A_168 = arith.constant 0 : i32
    %dma_start3A_169 = tpu.memref_slice %arg11[%dma_start3A_167, %dma_start3A_168] : memref<10240x64xf32, #tpu.memory_space<vmem_shared>> -> memref<10240x64xf32, #tpu.memory_space<vmem_shared>>
    tpu.enqueue_indirect_dma source(%arg16 : memref<80x64xf32, #tpu.memory_space<vmem>>) target(%dma_start3A_169 : memref<10240x64xf32, #tpu.memory_space<vmem_shared>>) offsets(%dma_start3A_166 : memref<80xi32, #tpu.memory_space<vmem>>) semaphore(%arg26 : memref<!tpu.dma_semaphore, #tpu.memory_space<semaphore_mem>>) {add = true}
    %get3A_170 = arith.constant 19920 : index
    %get3A_171 = tpu.vector_load %arg9[%get3A_170] {strides = array<i32>} : memref<20000xi32, #tpu.memory_space<vmem>>, vector<16xi32>,
    tpu.vector_store_idx %arg10[%get3A_171], %broadcast_in_dim3A_1 {add = true} : memref<10240xf32, #tpu.memory_space<vmem>>[vector<16xi32>], vector<16xf32>,
    %get3A_172 = arith.constant 19936 : index
    %get3A_173 = tpu.vector_load %arg9[%get3A_172] {strides = array<i32>} : memref<20000xi32, #tpu.memory_space<vmem>>, vector<16xi32>,
    tpu.vector_store_idx %arg10[%get3A_173], %broadcast_in_dim3A_1 {add = true} : memref<10240xf32, #tpu.memory_space<vmem>>[vector<16xi32>], vector<16xf32>,
    %get3A_174 = arith.constant 19952 : index
    %get3A_175 = tpu.vector_load %arg9[%get3A_174] {strides = array<i32>} : memref<20000xi32, #tpu.memory_space<vmem>>, vector<16xi32>,
    tpu.vector_store_idx %arg10[%get3A_175], %broadcast_in_dim3A_1 {add = true} : memref<10240xf32, #tpu.memory_space<vmem>>[vector<16xi32>], vector<16xf32>,
    %get3A_176 = arith.constant 19968 : index
    %get3A_177 = tpu.vector_load %arg9[%get3A_176] {strides = array<i32>} : memref<20000xi32, #tpu.memory_space<vmem>>, vector<16xi32>,
    tpu.vector_store_idx %arg10[%get3A_177], %broadcast_in_dim3A_1 {add = true} : memref<10240xf32, #tpu.memory_space<vmem>>[vector<16xi32>], vector<16xf32>,
    %get3A_178 = arith.constant 19984 : index
    %get3A_179 = tpu.vector_load %arg9[%get3A_178] {strides = array<i32>} : memref<20000xi32, #tpu.memory_space<vmem>>, vector<16xi32>,
    tpu.vector_store_idx %arg10[%get3A_179], %broadcast_in_dim3A_1 {add = true} : memref<10240xf32, #tpu.memory_space<vmem>>[vector<16xi32>], vector<16xf32>,
    %dma_wait3A_180 = arith.constant 0 : i32
    %dma_wait3A_181 = arith.constant 0 : i32
    %dma_wait3A_182 = tpu.memref_slice %arg11[%dma_wait3A_180, %dma_wait3A_181] : memref<10240x64xf32, #tpu.memory_space<vmem_shared>> -> memref<80x64xf32, #tpu.memory_space<vmem_shared>>
    %dma_wait3A_183 = arith.constant 0 : i32
    %dma_wait3A_184 = arith.constant 0 : i32
    %dma_wait3A_185 = tpu.memref_slice %arg11[%dma_wait3A_183, %dma_wait3A_184] : memref<10240x64xf32, #tpu.memory_space<vmem_shared>> -> memref<80x64xf32, #tpu.memory_space<vmem_shared>>
    tpu.wait_dma2 semaphore(%arg26 : memref<!tpu.dma_semaphore, #tpu.memory_space<semaphore_mem>>) src(%arg16 : memref<80x64xf32, #tpu.memory_space<vmem>>) dst(%dma_wait3A_185 : memref<80x64xf32, #tpu.memory_space<vmem_shared>>)
    %barrier3A_186 = arith.constant 0 : index
    tpu.barrier barrier_id(%barrier3A_186)
    "tpu.region"() ({
      %run_scoped3A = tpu.sem_alloc : memref<!tpu.dma_semaphore, #tpu.memory_space<semaphore_mem>>
      %dma_start3A_334 = arith.constant 0 : i32
      %dma_start3A_335 = tpu.memref_slice %arg6[%arg0, %mul3A_0, %dma_start3A_334] : memref<2x10240x128xf32, #tpu.memory_space<hbm>> -> memref<1x640x64xf32, #tpu.memory_space<hbm>>
      %dma_start3A_336 = tpu.memref_squeeze %dma_start3A_335 : memref<1x640x64xf32, #tpu.memory_space<hbm>> -> memref<640x64xf32, #tpu.memory_space<hbm>>
      %dma_start3A_337 = arith.constant 0 : i32
      %dma_start3A_338 = tpu.memref_slice %arg11[%mul3A_0, %dma_start3A_337] : memref<10240x64xf32, #tpu.memory_space<vmem_shared>> -> memref<640x64xf32, #tpu.memory_space<vmem_shared>>
      tpu.enqueue_dma source(%dma_start3A_338 : memref<640x64xf32, #tpu.memory_space<vmem_shared>>) target(%dma_start3A_336 : memref<640x64xf32, #tpu.memory_space<hbm>>) target_semaphore(%run_scoped3A : memref<!tpu.dma_semaphore, #tpu.memory_space<semaphore_mem>>)
      %dma_wait3A_339 = arith.constant 0 : i32
      %dma_wait3A_340 = tpu.memref_slice %arg6[%arg0, %mul3A_0, %dma_wait3A_339] : memref<2x10240x128xf32, #tpu.memory_space<hbm>> -> memref<1x640x64xf32, #tpu.memory_space<hbm>>
      %dma_wait3A_341 = tpu.memref_squeeze %dma_wait3A_340 : memref<1x640x64xf32, #tpu.memory_space<hbm>> -> memref<640x64xf32, #tpu.memory_space<hbm>>
      %dma_wait3A_342 = arith.constant 0 : i32
      %dma_wait3A_343 = tpu.memref_slice %arg11[%mul3A_0, %dma_wait3A_342] : memref<10240x64xf32, #tpu.memory_space<vmem_shared>> -> memref<640x64xf32, #tpu.memory_space<vmem_shared>>
      tpu.wait_dma2 semaphore(%run_scoped3A : memref<!tpu.dma_semaphore, #tpu.memory_space<semaphore_mem>>) src(%dma_wait3A_343 : memref<640x64xf32, #tpu.memory_space<vmem_shared>>) dst(%dma_wait3A_341 : memref<640x64xf32, #tpu.memory_space<hbm>>)
      tpu.yield
    }) : () -> ()
    "tpu.region"() ({
      %run_scoped3A = tpu.sem_alloc : memref<!tpu.dma_semaphore, #tpu.memory_space<semaphore_mem>>
      %dma_start3A_334 = arith.constant 0 : i32
      %dma_start3A_335 = tpu.memref_slice %arg7[%arg0, %arg1, %dma_start3A_334] : memref<2x16x10240xf32, #tpu.memory_space<hbm>> -> memref<1x1x10240xf32, #tpu.memory_space<hbm>>
      %dma_start3A_336 = tpu.memref_squeeze %dma_start3A_335 : memref<1x1x10240xf32, #tpu.memory_space<hbm>> -> memref<10240xf32, #tpu.memory_space<hbm>>
      %dma_start3A_337 = arith.constant 0 : i32
      %dma_start3A_338 = tpu.memref_slice %arg7[%arg0, %arg1, %dma_start3A_337] : memref<2x16x10240xf32, #tpu.memory_space<hbm>> -> memref<1x1x10240xf32, #tpu.memory_space<hbm>>
      %dma_start3A_339 = tpu.memref_squeeze %dma_start3A_338 : memref<1x1x10240xf32, #tpu.memory_space<hbm>> -> memref<10240xf32, #tpu.memory_space<hbm>>
      tpu.enqueue_dma source(%arg10 : memref<10240xf32, #tpu.memory_space<vmem>>) target(%dma_start3A_339 : memref<10240xf32, #tpu.memory_space<hbm>>) target_semaphore(%run_scoped3A : memref<!tpu.dma_semaphore, #tpu.memory_space<semaphore_mem>>)
      %dma_wait3A_340 = arith.constant 0 : i32
      %dma_wait3A_341 = tpu.memref_slice %arg7[%arg0, %arg1, %dma_wait3A_340] : memref<2x16x10240xf32, #tpu.memory_space<hbm>> -> memref<1x1x10240xf32, #tpu.memory_space<hbm>>
      %dma_wait3A_342 = tpu.memref_squeeze %dma_wait3A_341 : memref<1x1x10240xf32, #tpu.memory_space<hbm>> -> memref<10240xf32, #tpu.memory_space<hbm>>
      %dma_wait3A_343 = arith.constant 0 : i32
      %dma_wait3A_344 = tpu.memref_slice %arg7[%arg0, %arg1, %dma_wait3A_343] : memref<2x16x10240xf32, #tpu.memory_space<hbm>> -> memref<1x1x10240xf32, #tpu.memory_space<hbm>>
      %dma_wait3A_345 = tpu.memref_squeeze %dma_wait3A_344 : memref<1x1x10240xf32, #tpu.memory_space<hbm>> -> memref<10240xf32, #tpu.memory_space<hbm>>
      tpu.wait_dma2 semaphore(%run_scoped3A : memref<!tpu.dma_semaphore, #tpu.memory_space<semaphore_mem>>) src(%arg10 : memref<10240xf32, #tpu.memory_space<vmem>>) dst(%dma_wait3A_345 : memref<10240xf32, #tpu.memory_space<hbm>>)
      tpu.yield
    }) : () -> ()
    "tpu.region"() ({
      %run_scoped3A = tpu.sem_alloc : memref<!tpu.dma_semaphore, #tpu.memory_space<semaphore_mem>>
      %dma_start3A_334 = arith.constant 0 : i32
      %dma_start3A_335 = tpu.memref_slice %arg11[%mul3A_0, %dma_start3A_334] : memref<10240x64xf32, #tpu.memory_space<vmem_shared>> -> memref<640x64xf32, #tpu.memory_space<vmem_shared>>
      tpu.enqueue_dma source(%arg4 : memref<640x64xf32, #tpu.memory_space<hbm>>) target(%dma_start3A_335 : memref<640x64xf32, #tpu.memory_space<vmem_shared>>) target_semaphore(%run_scoped3A : memref<!tpu.dma_semaphore, #tpu.memory_space<semaphore_mem>>)
      %dma_wait3A_336 = arith.constant 0 : i32
      %dma_wait3A_337 = tpu.memref_slice %arg11[%mul3A_0, %dma_wait3A_336] : memref<10240x64xf32, #tpu.memory_space<vmem_shared>> -> memref<640x64xf32, #tpu.memory_space<vmem_shared>>
      tpu.wait_dma2 semaphore(%run_scoped3A : memref<!tpu.dma_semaphore, #tpu.memory_space<semaphore_mem>>) src(%arg4 : memref<640x64xf32, #tpu.memory_space<hbm>>) dst(%dma_wait3A_337 : memref<640x64xf32, #tpu.memory_space<vmem_shared>>)
      tpu.yield
    }) : () -> ()
    %barrier3A_187 = arith.constant 0 : index
    tpu.barrier barrier_id(%barrier3A_187)
    %dma_start3A_188 = arith.constant 0 : i32
    %dma_start3A_189 = tpu.memref_slice %arg8[%dma_start3A_188] : memref<20000xi32, #tpu.memory_space<vmem>> -> memref<80xi32, #tpu.memory_space<vmem>>
    %dma_start3A_190 = arith.constant 1 : i32
    %dma_start3A_191 = arith.constant 0 : i32
    %dma_start3A_192 = tpu.memref_slice %arg2[%dma_start3A_190, %dma_start3A_191] : memref<20000x64xf32, #tpu.memory_space<hbm>> -> memref<19999x64xf32, #tpu.memory_space<hbm>>
    %dma_start3A_193 = arith.constant 0 : i32
    %dma_start3A_194 = arith.constant 0 : i32
    %dma_start3A_195 = tpu.memref_slice %dma_start3A_192[%dma_start3A_193, %dma_start3A_194] : memref<19999x64xf32, #tpu.memory_space<hbm>> -> memref<19999x64xf32, #tpu.memory_space<hbm>>
    tpu.enqueue_indirect_dma source(%dma_start3A_195 : memref<19999x64xf32, #tpu.memory_space<hbm>>) target(%arg12 : memref<80x64xf32, #tpu.memory_space<vmem>>) offsets(%dma_start3A_189 : memref<80xi32, #tpu.memory_space<vmem>>) semaphore(%arg17 : memref<!tpu.dma_semaphore, #tpu.memory_space<semaphore_mem>>)
    %dma_start3A_196 = arith.constant 80 : i32
    %dma_start3A_197 = tpu.memref_slice %arg8[%dma_start3A_196] : memref<20000xi32, #tpu.memory_space<vmem>> -> memref<80xi32, #tpu.memory_space<vmem>>
    %dma_start3A_198 = arith.constant 1 : i32
    %dma_start3A_199 = arith.constant 0 : i32
    %dma_start3A_200 = tpu.memref_slice %arg2[%dma_start3A_198, %dma_start3A_199] : memref<20000x64xf32, #tpu.memory_space<hbm>> -> memref<19999x64xf32, #tpu.memory_space<hbm>>
    %dma_start3A_201 = arith.constant 0 : i32
    %dma_start3A_202 = arith.constant 0 : i32
    %dma_start3A_203 = tpu.memref_slice %dma_start3A_200[%dma_start3A_201, %dma_start3A_202] : memref<19999x64xf32, #tpu.memory_space<hbm>> -> memref<19999x64xf32, #tpu.memory_space<hbm>>
    tpu.enqueue_indirect_dma source(%dma_start3A_203 : memref<19999x64xf32, #tpu.memory_space<hbm>>) target(%arg13 : memref<80x64xf32, #tpu.memory_space<vmem>>) offsets(%dma_start3A_197 : memref<80xi32, #tpu.memory_space<vmem>>) semaphore(%arg18 : memref<!tpu.dma_semaphore, #tpu.memory_space<semaphore_mem>>)
    %dma_start3A_204 = arith.constant 160 : i32
    %dma_start3A_205 = tpu.memref_slice %arg8[%dma_start3A_204] : memref<20000xi32, #tpu.memory_space<vmem>> -> memref<80xi32, #tpu.memory_space<vmem>>
    %dma_start3A_206 = arith.constant 1 : i32
    %dma_start3A_207 = arith.constant 0 : i32
    %dma_start3A_208 = tpu.memref_slice %arg2[%dma_start3A_206, %dma_start3A_207] : memref<20000x64xf32, #tpu.memory_space<hbm>> -> memref<19999x64xf32, #tpu.memory_space<hbm>>
    %dma_start3A_209 = arith.constant 0 : i32
    %dma_start3A_210 = arith.constant 0 : i32
    %dma_start3A_211 = tpu.memref_slice %dma_start3A_208[%dma_start3A_209, %dma_start3A_210] : memref<19999x64xf32, #tpu.memory_space<hbm>> -> memref<19999x64xf32, #tpu.memory_space<hbm>>
    tpu.enqueue_indirect_dma source(%dma_start3A_211 : memref<19999x64xf32, #tpu.memory_space<hbm>>) target(%arg14 : memref<80x64xf32, #tpu.memory_space<vmem>>) offsets(%dma_start3A_205 : memref<80xi32, #tpu.memory_space<vmem>>) semaphore(%arg19 : memref<!tpu.dma_semaphore, #tpu.memory_space<semaphore_mem>>)
    %dma_start3A_212 = arith.constant 240 : i32
    %dma_start3A_213 = tpu.memref_slice %arg8[%dma_start3A_212] : memref<20000xi32, #tpu.memory_space<vmem>> -> memref<80xi32, #tpu.memory_space<vmem>>
    %dma_start3A_214 = arith.constant 1 : i32
    %dma_start3A_215 = arith.constant 0 : i32
    %dma_start3A_216 = tpu.memref_slice %arg2[%dma_start3A_214, %dma_start3A_215] : memref<20000x64xf32, #tpu.memory_space<hbm>> -> memref<19999x64xf32, #tpu.memory_space<hbm>>
    %dma_start3A_217 = arith.constant 0 : i32
    %dma_start3A_218 = arith.constant 0 : i32
    %dma_start3A_219 = tpu.memref_slice %dma_start3A_216[%dma_start3A_217, %dma_start3A_218] : memref<19999x64xf32, #tpu.memory_space<hbm>> -> memref<19999x64xf32, #tpu.memory_space<hbm>>
    tpu.enqueue_indirect_dma source(%dma_start3A_219 : memref<19999x64xf32, #tpu.memory_space<hbm>>) target(%arg15 : memref<80x64xf32, #tpu.memory_space<vmem>>) offsets(%dma_start3A_213 : memref<80xi32, #tpu.memory_space<vmem>>) semaphore(%arg20 : memref<!tpu.dma_semaphore, #tpu.memory_space<semaphore_mem>>)
    %dma_start3A_220 = arith.constant 320 : i32
    %dma_start3A_221 = tpu.memref_slice %arg8[%dma_start3A_220] : memref<20000xi32, #tpu.memory_space<vmem>> -> memref<80xi32, #tpu.memory_space<vmem>>
    %dma_start3A_222 = arith.constant 1 : i32
    %dma_start3A_223 = arith.constant 0 : i32
    %dma_start3A_224 = tpu.memref_slice %arg2[%dma_start3A_222, %dma_start3A_223] : memref<20000x64xf32, #tpu.memory_space<hbm>> -> memref<19999x64xf32, #tpu.memory_space<hbm>>
    %dma_start3A_225 = arith.constant 0 : i32
    %dma_start3A_226 = arith.constant 0 : i32
    %dma_start3A_227 = tpu.memref_slice %dma_start3A_224[%dma_start3A_225, %dma_start3A_226] : memref<19999x64xf32, #tpu.memory_space<hbm>> -> memref<19999x64xf32, #tpu.memory_space<hbm>>
    tpu.enqueue_indirect_dma source(%dma_start3A_227 : memref<19999x64xf32, #tpu.memory_space<hbm>>) target(%arg16 : memref<80x64xf32, #tpu.memory_space<vmem>>) offsets(%dma_start3A_221 : memref<80xi32, #tpu.memory_space<vmem>>) semaphore(%arg21 : memref<!tpu.dma_semaphore, #tpu.memory_space<semaphore_mem>>)
    %scan3A_228 = arith.constant 0 : i32
    %scan3A_229 = arith.constant 0 : i32
    %scan3A_230 = arith.constant 49 : i32
    %scan3A_231 = arith.addi %scan3A_229, %scan3A_230 : i32
    %scan3A_232 = arith.constant 1 : i32
    scf.for %scan3A_334 = %scan3A_229 to %scan3A_231 step %scan3A_232  : i32 {
      %mul3A_335 = arith.constant 5 : i32
      %mul3A_336 = arith.muli %scan3A_334, %mul3A_335 : i32
      %add3A = arith.constant 0 : i32
      %add3A_337 = arith.addi %mul3A_336, %add3A : i32
      %gt3A = arith.constant 0 : i32
      %gt3A_338 = arith.cmpi sgt, %scan3A_334, %gt3A : i32
      %convert_element_type3A = arith.extui %gt3A_338 : i1 to i32
      %cond3A = arith.constant 0 : i32
      %cond3A_339 = arith.cmpi ne, %convert_element_type3A, %cond3A : i32
      scf.if %cond3A_339 {
        %dma_wait3A_492 = arith.constant 0 : i32
        %dma_wait3A_493 = arith.constant 0 : i32
        %dma_wait3A_494 = tpu.memref_slice %arg11[%dma_wait3A_492, %dma_wait3A_493] : memref<10240x64xf32, #tpu.memory_space<vmem_shared>> -> memref<80x64xf32, #tpu.memory_space<vmem_shared>>
        %dma_wait3A_495 = arith.constant 0 : i32
        %dma_wait3A_496 = arith.constant 0 : i32
        %dma_wait3A_497 = tpu.memref_slice %arg11[%dma_wait3A_495, %dma_wait3A_496] : memref<10240x64xf32, #tpu.memory_space<vmem_shared>> -> memref<80x64xf32, #tpu.memory_space<vmem_shared>>
        tpu.wait_dma2 semaphore(%arg26 : memref<!tpu.dma_semaphore, #tpu.memory_space<semaphore_mem>>) src(%arg16 : memref<80x64xf32, #tpu.memory_space<vmem>>) dst(%dma_wait3A_497 : memref<80x64xf32, #tpu.memory_space<vmem_shared>>)
        %sub3A_498 = arith.constant 1 : i32
        %sub3A_499 = arith.subi %add3A_337, %sub3A_498 : i32
        %add3A_500 = arith.constant 5 : i32
        %add3A_501 = arith.addi %sub3A_499, %add3A_500 : i32
        %mul3A_502 = arith.constant 80 : i32
        %mul3A_503 = arith.muli %add3A_501, %mul3A_502 : i32
        %dma_start3A_504 = tpu.memref_slice %arg8[%mul3A_503] : memref<20000xi32, #tpu.memory_space<vmem>> -> memref<80xi32, #tpu.memory_space<vmem>>
        %dma_start3A_505 = arith.constant 1 : i32
        %dma_start3A_506 = arith.constant 0 : i32
        %dma_start3A_507 = tpu.memref_slice %arg2[%dma_start3A_505, %dma_start3A_506] : memref<20000x64xf32, #tpu.memory_space<hbm>> -> memref<19999x64xf32, #tpu.memory_space<hbm>>
        %dma_start3A_508 = arith.constant 0 : i32
        %dma_start3A_509 = arith.constant 0 : i32
        %dma_start3A_510 = tpu.memref_slice %dma_start3A_507[%dma_start3A_508, %dma_start3A_509] : memref<19999x64xf32, #tpu.memory_space<hbm>> -> memref<19999x64xf32, #tpu.memory_space<hbm>>
        tpu.enqueue_indirect_dma source(%dma_start3A_510 : memref<19999x64xf32, #tpu.memory_space<hbm>>) target(%arg16 : memref<80x64xf32, #tpu.memory_space<vmem>>) offsets(%dma_start3A_504 : memref<80xi32, #tpu.memory_space<vmem>>) semaphore(%arg21 : memref<!tpu.dma_semaphore, #tpu.memory_space<semaphore_mem>>)
      } else {
      }
      %dma_wait3A_340 = arith.constant 0 : i32
      %dma_wait3A_341 = arith.constant 0 : i32
      %dma_wait3A_342 = tpu.memref_slice %arg2[%dma_wait3A_340, %dma_wait3A_341] : memref<20000x64xf32, #tpu.memory_space<hbm>> -> memref<80x64xf32, #tpu.memory_space<hbm>>
      %dma_wait3A_343 = arith.constant 0 : i32
      %dma_wait3A_344 = arith.constant 0 : i32
      %dma_wait3A_345 = tpu.memref_slice %arg2[%dma_wait3A_343, %dma_wait3A_344] : memref<20000x64xf32, #tpu.memory_space<hbm>> -> memref<80x64xf32, #tpu.memory_space<hbm>>
      tpu.wait_dma2 semaphore(%arg17 : memref<!tpu.dma_semaphore, #tpu.memory_space<semaphore_mem>>) src(%dma_wait3A_345 : memref<80x64xf32, #tpu.memory_space<hbm>>) dst(%arg12 : memref<80x64xf32, #tpu.memory_space<vmem>>)
      %mul3A_346 = arith.constant 80 : i32
      %mul3A_347 = arith.muli %add3A_337, %mul3A_346 : i32
      %dma_start3A_348 = tpu.memref_slice %arg9[%mul3A_347] : memref<20000xi32, #tpu.memory_space<vmem>> -> memref<80xi32, #tpu.memory_space<vmem>>
      %dma_start3A_349 = arith.constant 0 : i32
      %dma_start3A_350 = arith.constant 0 : i32
      %dma_start3A_351 = tpu.memref_slice %arg11[%dma_start3A_349, %dma_start3A_350] : memref<10240x64xf32, #tpu.memory_space<vmem_shared>> -> memref<10240x64xf32, #tpu.memory_space<vmem_shared>>
      tpu.enqueue_indirect_dma source(%arg12 : memref<80x64xf32, #tpu.memory_space<vmem>>) target(%dma_start3A_351 : memref<10240x64xf32, #tpu.memory_space<vmem_shared>>) offsets(%dma_start3A_348 : memref<80xi32, #tpu.memory_space<vmem>>) semaphore(%arg22 : memref<!tpu.dma_semaphore, #tpu.memory_space<semaphore_mem>>) {add = true}
      %mul3A_352 = arith.constant 5 : i32
      %mul3A_353 = arith.muli %scan3A_334, %mul3A_352 : i32
      %add3A_354 = arith.constant 1 : i32
      %add3A_355 = arith.addi %mul3A_353, %add3A_354 : i32
      %dma_wait3A_356 = arith.constant 0 : i32
      %dma_wait3A_357 = arith.constant 0 : i32
      %dma_wait3A_358 = tpu.memref_slice %arg11[%dma_wait3A_356, %dma_wait3A_357] : memref<10240x64xf32, #tpu.memory_space<vmem_shared>> -> memref<80x64xf32, #tpu.memory_space<vmem_shared>>
      %dma_wait3A_359 = arith.constant 0 : i32
      %dma_wait3A_360 = arith.constant 0 : i32
      %dma_wait3A_361 = tpu.memref_slice %arg11[%dma_wait3A_359, %dma_wait3A_360] : memref<10240x64xf32, #tpu.memory_space<vmem_shared>> -> memref<80x64xf32, #tpu.memory_space<vmem_shared>>
      tpu.wait_dma2 semaphore(%arg22 : memref<!tpu.dma_semaphore, #tpu.memory_space<semaphore_mem>>) src(%arg12 : memref<80x64xf32, #tpu.memory_space<vmem>>) dst(%dma_wait3A_361 : memref<80x64xf32, #tpu.memory_space<vmem_shared>>)
      %sub3A_362 = arith.constant 1 : i32
      %sub3A_363 = arith.subi %add3A_355, %sub3A_362 : i32
      %add3A_364 = arith.constant 5 : i32
      %add3A_365 = arith.addi %sub3A_363, %add3A_364 : i32
      %mul3A_366 = arith.constant 80 : i32
      %mul3A_367 = arith.muli %add3A_365, %mul3A_366 : i32
      %dma_start3A_368 = tpu.memref_slice %arg8[%mul3A_367] : memref<20000xi32, #tpu.memory_space<vmem>> -> memref<80xi32, #tpu.memory_space<vmem>>
      %dma_start3A_369 = arith.constant 1 : i32
      %dma_start3A_370 = arith.constant 0 : i32
      %dma_start3A_371 = tpu.memref_slice %arg2[%dma_start3A_369, %dma_start3A_370] : memref<20000x64xf32, #tpu.memory_space<hbm>> -> memref<19999x64xf32, #tpu.memory_space<hbm>>
      %dma_start3A_372 = arith.constant 0 : i32
      %dma_start3A_373 = arith.constant 0 : i32
      %dma_start3A_374 = tpu.memref_slice %dma_start3A_371[%dma_start3A_372, %dma_start3A_373] : memref<19999x64xf32, #tpu.memory_space<hbm>> -> memref<19999x64xf32, #tpu.memory_space<hbm>>
      tpu.enqueue_indirect_dma source(%dma_start3A_374 : memref<19999x64xf32, #tpu.memory_space<hbm>>) target(%arg12 : memref<80x64xf32, #tpu.memory_space<vmem>>) offsets(%dma_start3A_368 : memref<80xi32, #tpu.memory_space<vmem>>) semaphore(%arg17 : memref<!tpu.dma_semaphore, #tpu.memory_space<semaphore_mem>>)
      %dma_wait3A_375 = arith.constant 0 : i32
      %dma_wait3A_376 = arith.constant 0 : i32
      %dma_wait3A_377 = tpu.memref_slice %arg2[%dma_wait3A_375, %dma_wait3A_376] : memref<20000x64xf32, #tpu.memory_space<hbm>> -> memref<80x64xf32, #tpu.memory_space<hbm>>
      %dma_wait3A_378 = arith.constant 0 : i32
      %dma_wait3A_379 = arith.constant 0 : i32
      %dma_wait3A_380 = tpu.memref_slice %arg2[%dma_wait3A_378, %dma_wait3A_379] : memref<20000x64xf32, #tpu.memory_space<hbm>> -> memref<80x64xf32, #tpu.memory_space<hbm>>
      tpu.wait_dma2 semaphore(%arg18 : memref<!tpu.dma_semaphore, #tpu.memory_space<semaphore_mem>>) src(%dma_wait3A_380 : memref<80x64xf32, #tpu.memory_space<hbm>>) dst(%arg13 : memref<80x64xf32, #tpu.memory_space<vmem>>)
      %mul3A_381 = arith.constant 80 : i32
      %mul3A_382 = arith.muli %add3A_355, %mul3A_381 : i32
      %dma_start3A_383 = tpu.memref_slice %arg9[%mul3A_382] : memref<20000xi32, #tpu.memory_space<vmem>> -> memref<80xi32, #tpu.memory_space<vmem>>
      %dma_start3A_384 = arith.constant 0 : i32
      %dma_start3A_385 = arith.constant 0 : i32
      %dma_start3A_386 = tpu.memref_slice %arg11[%dma_start3A_384, %dma_start3A_385] : memref<10240x64xf32, #tpu.memory_space<vmem_shared>> -> memref<10240x64xf32, #tpu.memory_space<vmem_shared>>
      tpu.enqueue_indirect_dma source(%arg13 : memref<80x64xf32, #tpu.memory_space<vmem>>) target(%dma_start3A_386 : memref<10240x64xf32, #tpu.memory_space<vmem_shared>>) offsets(%dma_start3A_383 : memref<80xi32, #tpu.memory_space<vmem>>) semaphore(%arg23 : memref<!tpu.dma_semaphore, #tpu.memory_space<semaphore_mem>>) {add = true}
      %mul3A_387 = arith.constant 5 : i32
      %mul3A_388 = arith.muli %scan3A_334, %mul3A_387 : i32
      %add3A_389 = arith.constant 2 : i32
      %add3A_390 = arith.addi %mul3A_388, %add3A_389 : i32
      %dma_wait3A_391 = arith.constant 0 : i32
      %dma_wait3A_392 = arith.constant 0 : i32
      %dma_wait3A_393 = tpu.memref_slice %arg11[%dma_wait3A_391, %dma_wait3A_392] : memref<10240x64xf32, #tpu.memory_space<vmem_shared>> -> memref<80x64xf32, #tpu.memory_space<vmem_shared>>
      %dma_wait3A_394 = arith.constant 0 : i32
      %dma_wait3A_395 = arith.constant 0 : i32
      %dma_wait3A_396 = tpu.memref_slice %arg11[%dma_wait3A_394, %dma_wait3A_395] : memref<10240x64xf32, #tpu.memory_space<vmem_shared>> -> memref<80x64xf32, #tpu.memory_space<vmem_shared>>
      tpu.wait_dma2 semaphore(%arg23 : memref<!tpu.dma_semaphore, #tpu.memory_space<semaphore_mem>>) src(%arg13 : memref<80x64xf32, #tpu.memory_space<vmem>>) dst(%dma_wait3A_396 : memref<80x64xf32, #tpu.memory_space<vmem_shared>>)
      %sub3A_397 = arith.constant 1 : i32
      %sub3A_398 = arith.subi %add3A_390, %sub3A_397 : i32
      %add3A_399 = arith.constant 5 : i32
      %add3A_400 = arith.addi %sub3A_398, %add3A_399 : i32
      %mul3A_401 = arith.constant 80 : i32
      %mul3A_402 = arith.muli %add3A_400, %mul3A_401 : i32
      %dma_start3A_403 = tpu.memref_slice %arg8[%mul3A_402] : memref<20000xi32, #tpu.memory_space<vmem>> -> memref<80xi32, #tpu.memory_space<vmem>>
      %dma_start3A_404 = arith.constant 1 : i32
      %dma_start3A_405 = arith.constant 0 : i32
      %dma_start3A_406 = tpu.memref_slice %arg2[%dma_start3A_404, %dma_start3A_405] : memref<20000x64xf32, #tpu.memory_space<hbm>> -> memref<19999x64xf32, #tpu.memory_space<hbm>>
      %dma_start3A_407 = arith.constant 0 : i32
      %dma_start3A_408 = arith.constant 0 : i32
      %dma_start3A_409 = tpu.memref_slice %dma_start3A_406[%dma_start3A_407, %dma_start3A_408] : memref<19999x64xf32, #tpu.memory_space<hbm>> -> memref<19999x64xf32, #tpu.memory_space<hbm>>
      tpu.enqueue_indirect_dma source(%dma_start3A_409 : memref<19999x64xf32, #tpu.memory_space<hbm>>) target(%arg13 : memref<80x64xf32, #tpu.memory_space<vmem>>) offsets(%dma_start3A_403 : memref<80xi32, #tpu.memory_space<vmem>>) semaphore(%arg18 : memref<!tpu.dma_semaphore, #tpu.memory_space<semaphore_mem>>)
      %dma_wait3A_410 = arith.constant 0 : i32
      %dma_wait3A_411 = arith.constant 0 : i32
      %dma_wait3A_412 = tpu.memref_slice %arg2[%dma_wait3A_410, %dma_wait3A_411] : memref<20000x64xf32, #tpu.memory_space<hbm>> -> memref<80x64xf32, #tpu.memory_space<hbm>>
      %dma_wait3A_413 = arith.constant 0 : i32
      %dma_wait3A_414 = arith.constant 0 : i32
      %dma_wait3A_415 = tpu.memref_slice %arg2[%dma_wait3A_413, %dma_wait3A_414] : memref<20000x64xf32, #tpu.memory_space<hbm>> -> memref<80x64xf32, #tpu.memory_space<hbm>>
      tpu.wait_dma2 semaphore(%arg19 : memref<!tpu.dma_semaphore, #tpu.memory_space<semaphore_mem>>) src(%dma_wait3A_415 : memref<80x64xf32, #tpu.memory_space<hbm>>) dst(%arg14 : memref<80x64xf32, #tpu.memory_space<vmem>>)
      %mul3A_416 = arith.constant 80 : i32
      %mul3A_417 = arith.muli %add3A_390, %mul3A_416 : i32
      %dma_start3A_418 = tpu.memref_slice %arg9[%mul3A_417] : memref<20000xi32, #tpu.memory_space<vmem>> -> memref<80xi32, #tpu.memory_space<vmem>>
      %dma_start3A_419 = arith.constant 0 : i32
      %dma_start3A_420 = arith.constant 0 : i32
      %dma_start3A_421 = tpu.memref_slice %arg11[%dma_start3A_419, %dma_start3A_420] : memref<10240x64xf32, #tpu.memory_space<vmem_shared>> -> memref<10240x64xf32, #tpu.memory_space<vmem_shared>>
      tpu.enqueue_indirect_dma source(%arg14 : memref<80x64xf32, #tpu.memory_space<vmem>>) target(%dma_start3A_421 : memref<10240x64xf32, #tpu.memory_space<vmem_shared>>) offsets(%dma_start3A_418 : memref<80xi32, #tpu.memory_space<vmem>>) semaphore(%arg24 : memref<!tpu.dma_semaphore, #tpu.memory_space<semaphore_mem>>) {add = true}
      %mul3A_422 = arith.constant 5 : i32
      %mul3A_423 = arith.muli %scan3A_334, %mul3A_422 : i32
      %add3A_424 = arith.constant 3 : i32
      %add3A_425 = arith.addi %mul3A_423, %add3A_424 : i32
      %dma_wait3A_426 = arith.constant 0 : i32
      %dma_wait3A_427 = arith.constant 0 : i32
      %dma_wait3A_428 = tpu.memref_slice %arg11[%dma_wait3A_426, %dma_wait3A_427] : memref<10240x64xf32, #tpu.memory_space<vmem_shared>> -> memref<80x64xf32, #tpu.memory_space<vmem_shared>>
      %dma_wait3A_429 = arith.constant 0 : i32
      %dma_wait3A_430 = arith.constant 0 : i32
      %dma_wait3A_431 = tpu.memref_slice %arg11[%dma_wait3A_429, %dma_wait3A_430] : memref<10240x64xf32, #tpu.memory_space<vmem_shared>> -> memref<80x64xf32, #tpu.memory_space<vmem_shared>>
      tpu.wait_dma2 semaphore(%arg24 : memref<!tpu.dma_semaphore, #tpu.memory_space<semaphore_mem>>) src(%arg14 : memref<80x64xf32, #tpu.memory_space<vmem>>) dst(%dma_wait3A_431 : memref<80x64xf32, #tpu.memory_space<vmem_shared>>)
      %sub3A_432 = arith.constant 1 : i32
      %sub3A_433 = arith.subi %add3A_425, %sub3A_432 : i32
      %add3A_434 = arith.constant 5 : i32
      %add3A_435 = arith.addi %sub3A_433, %add3A_434 : i32
      %mul3A_436 = arith.constant 80 : i32
      %mul3A_437 = arith.muli %add3A_435, %mul3A_436 : i32
      %dma_start3A_438 = tpu.memref_slice %arg8[%mul3A_437] : memref<20000xi32, #tpu.memory_space<vmem>> -> memref<80xi32, #tpu.memory_space<vmem>>
      %dma_start3A_439 = arith.constant 1 : i32
      %dma_start3A_440 = arith.constant 0 : i32
      %dma_start3A_441 = tpu.memref_slice %arg2[%dma_start3A_439, %dma_start3A_440] : memref<20000x64xf32, #tpu.memory_space<hbm>> -> memref<19999x64xf32, #tpu.memory_space<hbm>>
      %dma_start3A_442 = arith.constant 0 : i32
      %dma_start3A_443 = arith.constant 0 : i32
      %dma_start3A_444 = tpu.memref_slice %dma_start3A_441[%dma_start3A_442, %dma_start3A_443] : memref<19999x64xf32, #tpu.memory_space<hbm>> -> memref<19999x64xf32, #tpu.memory_space<hbm>>
      tpu.enqueue_indirect_dma source(%dma_start3A_444 : memref<19999x64xf32, #tpu.memory_space<hbm>>) target(%arg14 : memref<80x64xf32, #tpu.memory_space<vmem>>) offsets(%dma_start3A_438 : memref<80xi32, #tpu.memory_space<vmem>>) semaphore(%arg19 : memref<!tpu.dma_semaphore, #tpu.memory_space<semaphore_mem>>)
      %dma_wait3A_445 = arith.constant 0 : i32
      %dma_wait3A_446 = arith.constant 0 : i32
      %dma_wait3A_447 = tpu.memref_slice %arg2[%dma_wait3A_445, %dma_wait3A_446] : memref<20000x64xf32, #tpu.memory_space<hbm>> -> memref<80x64xf32, #tpu.memory_space<hbm>>
      %dma_wait3A_448 = arith.constant 0 : i32
      %dma_wait3A_449 = arith.constant 0 : i32
      %dma_wait3A_450 = tpu.memref_slice %arg2[%dma_wait3A_448, %dma_wait3A_449] : memref<20000x64xf32, #tpu.memory_space<hbm>> -> memref<80x64xf32, #tpu.memory_space<hbm>>
      tpu.wait_dma2 semaphore(%arg20 : memref<!tpu.dma_semaphore, #tpu.memory_space<semaphore_mem>>) src(%dma_wait3A_450 : memref<80x64xf32, #tpu.memory_space<hbm>>) dst(%arg15 : memref<80x64xf32, #tpu.memory_space<vmem>>)
      %mul3A_451 = arith.constant 80 : i32
      %mul3A_452 = arith.muli %add3A_425, %mul3A_451 : i32
      %dma_start3A_453 = tpu.memref_slice %arg9[%mul3A_452] : memref<20000xi32, #tpu.memory_space<vmem>> -> memref<80xi32, #tpu.memory_space<vmem>>
      %dma_start3A_454 = arith.constant 0 : i32
      %dma_start3A_455 = arith.constant 0 : i32
      %dma_start3A_456 = tpu.memref_slice %arg11[%dma_start3A_454, %dma_start3A_455] : memref<10240x64xf32, #tpu.memory_space<vmem_shared>> -> memref<10240x64xf32, #tpu.memory_space<vmem_shared>>
      tpu.enqueue_indirect_dma source(%arg15 : memref<80x64xf32, #tpu.memory_space<vmem>>) target(%dma_start3A_456 : memref<10240x64xf32, #tpu.memory_space<vmem_shared>>) offsets(%dma_start3A_453 : memref<80xi32, #tpu.memory_space<vmem>>) semaphore(%arg25 : memref<!tpu.dma_semaphore, #tpu.memory_space<semaphore_mem>>) {add = true}
      %mul3A_457 = arith.constant 5 : i32
      %mul3A_458 = arith.muli %scan3A_334, %mul3A_457 : i32
      %add3A_459 = arith.constant 4 : i32
      %add3A_460 = arith.addi %mul3A_458, %add3A_459 : i32
      %dma_wait3A_461 = arith.constant 0 : i32
      %dma_wait3A_462 = arith.constant 0 : i32
      %dma_wait3A_463 = tpu.memref_slice %arg11[%dma_wait3A_461, %dma_wait3A_462] : memref<10240x64xf32, #tpu.memory_space<vmem_shared>> -> memref<80x64xf32, #tpu.memory_space<vmem_shared>>
      %dma_wait3A_464 = arith.constant 0 : i32
      %dma_wait3A_465 = arith.constant 0 : i32
      %dma_wait3A_466 = tpu.memref_slice %arg11[%dma_wait3A_464, %dma_wait3A_465] : memref<10240x64xf32, #tpu.memory_space<vmem_shared>> -> memref<80x64xf32, #tpu.memory_space<vmem_shared>>
      tpu.wait_dma2 semaphore(%arg25 : memref<!tpu.dma_semaphore, #tpu.memory_space<semaphore_mem>>) src(%arg15 : memref<80x64xf32, #tpu.memory_space<vmem>>) dst(%dma_wait3A_466 : memref<80x64xf32, #tpu.memory_space<vmem_shared>>)
      %sub3A_467 = arith.constant 1 : i32
      %sub3A_468 = arith.subi %add3A_460, %sub3A_467 : i32
      %add3A_469 = arith.constant 5 : i32
      %add3A_470 = arith.addi %sub3A_468, %add3A_469 : i32
      %mul3A_471 = arith.constant 80 : i32
      %mul3A_472 = arith.muli %add3A_470, %mul3A_471 : i32
      %dma_start3A_473 = tpu.memref_slice %arg8[%mul3A_472] : memref<20000xi32, #tpu.memory_space<vmem>> -> memref<80xi32, #tpu.memory_space<vmem>>
      %dma_start3A_474 = arith.constant 1 : i32
      %dma_start3A_475 = arith.constant 0 : i32
      %dma_start3A_476 = tpu.memref_slice %arg2[%dma_start3A_474, %dma_start3A_475] : memref<20000x64xf32, #tpu.memory_space<hbm>> -> memref<19999x64xf32, #tpu.memory_space<hbm>>
      %dma_start3A_477 = arith.constant 0 : i32
      %dma_start3A_478 = arith.constant 0 : i32
      %dma_start3A_479 = tpu.memref_slice %dma_start3A_476[%dma_start3A_477, %dma_start3A_478] : memref<19999x64xf32, #tpu.memory_space<hbm>> -> memref<19999x64xf32, #tpu.memory_space<hbm>>
      tpu.enqueue_indirect_dma source(%dma_start3A_479 : memref<19999x64xf32, #tpu.memory_space<hbm>>) target(%arg15 : memref<80x64xf32, #tpu.memory_space<vmem>>) offsets(%dma_start3A_473 : memref<80xi32, #tpu.memory_space<vmem>>) semaphore(%arg20 : memref<!tpu.dma_semaphore, #tpu.memory_space<semaphore_mem>>)
      %dma_wait3A_480 = arith.constant 0 : i32
      %dma_wait3A_481 = arith.constant 0 : i32
      %dma_wait3A_482 = tpu.memref_slice %arg2[%dma_wait3A_480, %dma_wait3A_481] : memref<20000x64xf32, #tpu.memory_space<hbm>> -> memref<80x64xf32, #tpu.memory_space<hbm>>
      %dma_wait3A_483 = arith.constant 0 : i32
      %dma_wait3A_484 = arith.constant 0 : i32
      %dma_wait3A_485 = tpu.memref_slice %arg2[%dma_wait3A_483, %dma_wait3A_484] : memref<20000x64xf32, #tpu.memory_space<hbm>> -> memref<80x64xf32, #tpu.memory_space<hbm>>
      tpu.wait_dma2 semaphore(%arg21 : memref<!tpu.dma_semaphore, #tpu.memory_space<semaphore_mem>>) src(%dma_wait3A_485 : memref<80x64xf32, #tpu.memory_space<hbm>>) dst(%arg16 : memref<80x64xf32, #tpu.memory_space<vmem>>)
      %mul3A_486 = arith.constant 80 : i32
      %mul3A_487 = arith.muli %add3A_460, %mul3A_486 : i32
      %dma_start3A_488 = tpu.memref_slice %arg9[%mul3A_487] : memref<20000xi32, #tpu.memory_space<vmem>> -> memref<80xi32, #tpu.memory_space<vmem>>
      %dma_start3A_489 = arith.constant 0 : i32
      %dma_start3A_490 = arith.constant 0 : i32
      %dma_start3A_491 = tpu.memref_slice %arg11[%dma_start3A_489, %dma_start3A_490] : memref<10240x64xf32, #tpu.memory_space<vmem_shared>> -> memref<10240x64xf32, #tpu.memory_space<vmem_shared>>
      tpu.enqueue_indirect_dma source(%arg16 : memref<80x64xf32, #tpu.memory_space<vmem>>) target(%dma_start3A_491 : memref<10240x64xf32, #tpu.memory_space<vmem_shared>>) offsets(%dma_start3A_488 : memref<80xi32, #tpu.memory_space<vmem>>) semaphore(%arg26 : memref<!tpu.dma_semaphore, #tpu.memory_space<semaphore_mem>>) {add = true}
    }
    %scan3A_233 = arith.constant 49 : i32
    %dma_wait3A_234 = arith.constant 0 : i32
    %dma_wait3A_235 = arith.constant 0 : i32
    %dma_wait3A_236 = tpu.memref_slice %arg11[%dma_wait3A_234, %dma_wait3A_235] : memref<10240x64xf32, #tpu.memory_space<vmem_shared>> -> memref<80x64xf32, #tpu.memory_space<vmem_shared>>
    %dma_wait3A_237 = arith.constant 0 : i32
    %dma_wait3A_238 = arith.constant 0 : i32
    %dma_wait3A_239 = tpu.memref_slice %arg11[%dma_wait3A_237, %dma_wait3A_238] : memref<10240x64xf32, #tpu.memory_space<vmem_shared>> -> memref<80x64xf32, #tpu.memory_space<vmem_shared>>
    tpu.wait_dma2 semaphore(%arg26 : memref<!tpu.dma_semaphore, #tpu.memory_space<semaphore_mem>>) src(%arg16 : memref<80x64xf32, #tpu.memory_space<vmem>>) dst(%dma_wait3A_239 : memref<80x64xf32, #tpu.memory_space<vmem_shared>>)
    %dma_start3A_240 = arith.constant 19920 : i32
    %dma_start3A_241 = tpu.memref_slice %arg8[%dma_start3A_240] : memref<20000xi32, #tpu.memory_space<vmem>> -> memref<80xi32, #tpu.memory_space<vmem>>
    %dma_start3A_242 = arith.constant 1 : i32
    %dma_start3A_243 = arith.constant 0 : i32
    %dma_start3A_244 = tpu.memref_slice %arg2[%dma_start3A_242, %dma_start3A_243] : memref<20000x64xf32, #tpu.memory_space<hbm>> -> memref<19999x64xf32, #tpu.memory_space<hbm>>
    %dma_start3A_245 = arith.constant 0 : i32
    %dma_start3A_246 = arith.constant 0 : i32
    %dma_start3A_247 = tpu.memref_slice %dma_start3A_244[%dma_start3A_245, %dma_start3A_246] : memref<19999x64xf32, #tpu.memory_space<hbm>> -> memref<19999x64xf32, #tpu.memory_space<hbm>>
    tpu.enqueue_indirect_dma source(%dma_start3A_247 : memref<19999x64xf32, #tpu.memory_space<hbm>>) target(%arg16 : memref<80x64xf32, #tpu.memory_space<vmem>>) offsets(%dma_start3A_241 : memref<80xi32, #tpu.memory_space<vmem>>) semaphore(%arg21 : memref<!tpu.dma_semaphore, #tpu.memory_space<semaphore_mem>>)
    %dma_wait3A_248 = arith.constant 0 : i32
    %dma_wait3A_249 = arith.constant 0 : i32
    %dma_wait3A_250 = tpu.memref_slice %arg2[%dma_wait3A_248, %dma_wait3A_249] : memref<20000x64xf32, #tpu.memory_space<hbm>> -> memref<80x64xf32, #tpu.memory_space<hbm>>
    %dma_wait3A_251 = arith.constant 0 : i32
    %dma_wait3A_252 = arith.constant 0 : i32
    %dma_wait3A_253 = tpu.memref_slice %arg2[%dma_wait3A_251, %dma_wait3A_252] : memref<20000x64xf32, #tpu.memory_space<hbm>> -> memref<80x64xf32, #tpu.memory_space<hbm>>
    tpu.wait_dma2 semaphore(%arg17 : memref<!tpu.dma_semaphore, #tpu.memory_space<semaphore_mem>>) src(%dma_wait3A_253 : memref<80x64xf32, #tpu.memory_space<hbm>>) dst(%arg12 : memref<80x64xf32, #tpu.memory_space<vmem>>)
    %dma_start3A_254 = arith.constant 19600 : i32
    %dma_start3A_255 = tpu.memref_slice %arg9[%dma_start3A_254] : memref<20000xi32, #tpu.memory_space<vmem>> -> memref<80xi32, #tpu.memory_space<vmem>>
    %dma_start3A_256 = arith.constant 0 : i32
    %dma_start3A_257 = arith.constant 0 : i32
    %dma_start3A_258 = tpu.memref_slice %arg11[%dma_start3A_256, %dma_start3A_257] : memref<10240x64xf32, #tpu.memory_space<vmem_shared>> -> memref<10240x64xf32, #tpu.memory_space<vmem_shared>>
    tpu.enqueue_indirect_dma source(%arg12 : memref<80x64xf32, #tpu.memory_space<vmem>>) target(%dma_start3A_258 : memref<10240x64xf32, #tpu.memory_space<vmem_shared>>) offsets(%dma_start3A_255 : memref<80xi32, #tpu.memory_space<vmem>>) semaphore(%arg22 : memref<!tpu.dma_semaphore, #tpu.memory_space<semaphore_mem>>) {add = true}
    %dma_wait3A_259 = arith.constant 0 : i32
    %dma_wait3A_260 = arith.constant 0 : i32
    %dma_wait3A_261 = tpu.memref_slice %arg11[%dma_wait3A_259, %dma_wait3A_260] : memref<10240x64xf32, #tpu.memory_space<vmem_shared>> -> memref<80x64xf32, #tpu.memory_space<vmem_shared>>
    %dma_wait3A_262 = arith.constant 0 : i32
    %dma_wait3A_263 = arith.constant 0 : i32
    %dma_wait3A_264 = tpu.memref_slice %arg11[%dma_wait3A_262, %dma_wait3A_263] : memref<10240x64xf32, #tpu.memory_space<vmem_shared>> -> memref<80x64xf32, #tpu.memory_space<vmem_shared>>
    tpu.wait_dma2 semaphore(%arg22 : memref<!tpu.dma_semaphore, #tpu.memory_space<semaphore_mem>>) src(%arg12 : memref<80x64xf32, #tpu.memory_space<vmem>>) dst(%dma_wait3A_264 : memref<80x64xf32, #tpu.memory_space<vmem_shared>>)
    %dma_wait3A_265 = arith.constant 0 : i32
    %dma_wait3A_266 = arith.constant 0 : i32
    %dma_wait3A_267 = tpu.memref_slice %arg2[%dma_wait3A_265, %dma_wait3A_266] : memref<20000x64xf32, #tpu.memory_space<hbm>> -> memref<80x64xf32, #tpu.memory_space<hbm>>
    %dma_wait3A_268 = arith.constant 0 : i32
    %dma_wait3A_269 = arith.constant 0 : i32
    %dma_wait3A_270 = tpu.memref_slice %arg2[%dma_wait3A_268, %dma_wait3A_269] : memref<20000x64xf32, #tpu.memory_space<hbm>> -> memref<80x64xf32, #tpu.memory_space<hbm>>
    tpu.wait_dma2 semaphore(%arg18 : memref<!tpu.dma_semaphore, #tpu.memory_space<semaphore_mem>>) src(%dma_wait3A_270 : memref<80x64xf32, #tpu.memory_space<hbm>>) dst(%arg13 : memref<80x64xf32, #tpu.memory_space<vmem>>)
    %dma_start3A_271 = arith.constant 19680 : i32
    %dma_start3A_272 = tpu.memref_slice %arg9[%dma_start3A_271] : memref<20000xi32, #tpu.memory_space<vmem>> -> memref<80xi32, #tpu.memory_space<vmem>>
    %dma_start3A_273 = arith.constant 0 : i32
    %dma_start3A_274 = arith.constant 0 : i32
    %dma_start3A_275 = tpu.memref_slice %arg11[%dma_start3A_273, %dma_start3A_274] : memref<10240x64xf32, #tpu.memory_space<vmem_shared>> -> memref<10240x64xf32, #tpu.memory_space<vmem_shared>>
    tpu.enqueue_indirect_dma source(%arg13 : memref<80x64xf32, #tpu.memory_space<vmem>>) target(%dma_start3A_275 : memref<10240x64xf32, #tpu.memory_space<vmem_shared>>) offsets(%dma_start3A_272 : memref<80xi32, #tpu.memory_space<vmem>>) semaphore(%arg23 : memref<!tpu.dma_semaphore, #tpu.memory_space<semaphore_mem>>) {add = true}
    %dma_wait3A_276 = arith.constant 0 : i32
    %dma_wait3A_277 = arith.constant 0 : i32
    %dma_wait3A_278 = tpu.memref_slice %arg11[%dma_wait3A_276, %dma_wait3A_277] : memref<10240x64xf32, #tpu.memory_space<vmem_shared>> -> memref<80x64xf32, #tpu.memory_space<vmem_shared>>
    %dma_wait3A_279 = arith.constant 0 : i32
    %dma_wait3A_280 = arith.constant 0 : i32
    %dma_wait3A_281 = tpu.memref_slice %arg11[%dma_wait3A_279, %dma_wait3A_280] : memref<10240x64xf32, #tpu.memory_space<vmem_shared>> -> memref<80x64xf32, #tpu.memory_space<vmem_shared>>
    tpu.wait_dma2 semaphore(%arg23 : memref<!tpu.dma_semaphore, #tpu.memory_space<semaphore_mem>>) src(%arg13 : memref<80x64xf32, #tpu.memory_space<vmem>>) dst(%dma_wait3A_281 : memref<80x64xf32, #tpu.memory_space<vmem_shared>>)
    %dma_wait3A_282 = arith.constant 0 : i32
    %dma_wait3A_283 = arith.constant 0 : i32
    %dma_wait3A_284 = tpu.memref_slice %arg2[%dma_wait3A_282, %dma_wait3A_283] : memref<20000x64xf32, #tpu.memory_space<hbm>> -> memref<80x64xf32, #tpu.memory_space<hbm>>
    %dma_wait3A_285 = arith.constant 0 : i32
    %dma_wait3A_286 = arith.constant 0 : i32
    %dma_wait3A_287 = tpu.memref_slice %arg2[%dma_wait3A_285, %dma_wait3A_286] : memref<20000x64xf32, #tpu.memory_space<hbm>> -> memref<80x64xf32, #tpu.memory_space<hbm>>
    tpu.wait_dma2 semaphore(%arg19 : memref<!tpu.dma_semaphore, #tpu.memory_space<semaphore_mem>>) src(%dma_wait3A_287 : memref<80x64xf32, #tpu.memory_space<hbm>>) dst(%arg14 : memref<80x64xf32, #tpu.memory_space<vmem>>)
    %dma_start3A_288 = arith.constant 19760 : i32
    %dma_start3A_289 = tpu.memref_slice %arg9[%dma_start3A_288] : memref<20000xi32, #tpu.memory_space<vmem>> -> memref<80xi32, #tpu.memory_space<vmem>>
    %dma_start3A_290 = arith.constant 0 : i32
    %dma_start3A_291 = arith.constant 0 : i32
    %dma_start3A_292 = tpu.memref_slice %arg11[%dma_start3A_290, %dma_start3A_291] : memref<10240x64xf32, #tpu.memory_space<vmem_shared>> -> memref<10240x64xf32, #tpu.memory_space<vmem_shared>>
    tpu.enqueue_indirect_dma source(%arg14 : memref<80x64xf32, #tpu.memory_space<vmem>>) target(%dma_start3A_292 : memref<10240x64xf32, #tpu.memory_space<vmem_shared>>) offsets(%dma_start3A_289 : memref<80xi32, #tpu.memory_space<vmem>>) semaphore(%arg24 : memref<!tpu.dma_semaphore, #tpu.memory_space<semaphore_mem>>) {add = true}
    %dma_wait3A_293 = arith.constant 0 : i32
    %dma_wait3A_294 = arith.constant 0 : i32
    %dma_wait3A_295 = tpu.memref_slice %arg11[%dma_wait3A_293, %dma_wait3A_294] : memref<10240x64xf32, #tpu.memory_space<vmem_shared>> -> memref<80x64xf32, #tpu.memory_space<vmem_shared>>
    %dma_wait3A_296 = arith.constant 0 : i32
    %dma_wait3A_297 = arith.constant 0 : i32
    %dma_wait3A_298 = tpu.memref_slice %arg11[%dma_wait3A_296, %dma_wait3A_297] : memref<10240x64xf32, #tpu.memory_space<vmem_shared>> -> memref<80x64xf32, #tpu.memory_space<vmem_shared>>
    tpu.wait_dma2 semaphore(%arg24 : memref<!tpu.dma_semaphore, #tpu.memory_space<semaphore_mem>>) src(%arg14 : memref<80x64xf32, #tpu.memory_space<vmem>>) dst(%dma_wait3A_298 : memref<80x64xf32, #tpu.memory_space<vmem_shared>>)
    %dma_wait3A_299 = arith.constant 0 : i32
    %dma_wait3A_300 = arith.constant 0 : i32
    %dma_wait3A_301 = tpu.memref_slice %arg2[%dma_wait3A_299, %dma_wait3A_300] : memref<20000x64xf32, #tpu.memory_space<hbm>> -> memref<80x64xf32, #tpu.memory_space<hbm>>
    %dma_wait3A_302 = arith.constant 0 : i32
    %dma_wait3A_303 = arith.constant 0 : i32
    %dma_wait3A_304 = tpu.memref_slice %arg2[%dma_wait3A_302, %dma_wait3A_303] : memref<20000x64xf32, #tpu.memory_space<hbm>> -> memref<80x64xf32, #tpu.memory_space<hbm>>
    tpu.wait_dma2 semaphore(%arg20 : memref<!tpu.dma_semaphore, #tpu.memory_space<semaphore_mem>>) src(%dma_wait3A_304 : memref<80x64xf32, #tpu.memory_space<hbm>>) dst(%arg15 : memref<80x64xf32, #tpu.memory_space<vmem>>)
    %dma_start3A_305 = arith.constant 19840 : i32
    %dma_start3A_306 = tpu.memref_slice %arg9[%dma_start3A_305] : memref<20000xi32, #tpu.memory_space<vmem>> -> memref<80xi32, #tpu.memory_space<vmem>>
    %dma_start3A_307 = arith.constant 0 : i32
    %dma_start3A_308 = arith.constant 0 : i32
    %dma_start3A_309 = tpu.memref_slice %arg11[%dma_start3A_307, %dma_start3A_308] : memref<10240x64xf32, #tpu.memory_space<vmem_shared>> -> memref<10240x64xf32, #tpu.memory_space<vmem_shared>>
    tpu.enqueue_indirect_dma source(%arg15 : memref<80x64xf32, #tpu.memory_space<vmem>>) target(%dma_start3A_309 : memref<10240x64xf32, #tpu.memory_space<vmem_shared>>) offsets(%dma_start3A_306 : memref<80xi32, #tpu.memory_space<vmem>>) semaphore(%arg25 : memref<!tpu.dma_semaphore, #tpu.memory_space<semaphore_mem>>) {add = true}
    %dma_wait3A_310 = arith.constant 0 : i32
    %dma_wait3A_311 = arith.constant 0 : i32
    %dma_wait3A_312 = tpu.memref_slice %arg11[%dma_wait3A_310, %dma_wait3A_311] : memref<10240x64xf32, #tpu.memory_space<vmem_shared>> -> memref<80x64xf32, #tpu.memory_space<vmem_shared>>
    %dma_wait3A_313 = arith.constant 0 : i32
    %dma_wait3A_314 = arith.constant 0 : i32
    %dma_wait3A_315 = tpu.memref_slice %arg11[%dma_wait3A_313, %dma_wait3A_314] : memref<10240x64xf32, #tpu.memory_space<vmem_shared>> -> memref<80x64xf32, #tpu.memory_space<vmem_shared>>
    tpu.wait_dma2 semaphore(%arg25 : memref<!tpu.dma_semaphore, #tpu.memory_space<semaphore_mem>>) src(%arg15 : memref<80x64xf32, #tpu.memory_space<vmem>>) dst(%dma_wait3A_315 : memref<80x64xf32, #tpu.memory_space<vmem_shared>>)
    %dma_wait3A_316 = arith.constant 0 : i32
    %dma_wait3A_317 = arith.constant 0 : i32
    %dma_wait3A_318 = tpu.memref_slice %arg2[%dma_wait3A_316, %dma_wait3A_317] : memref<20000x64xf32, #tpu.memory_space<hbm>> -> memref<80x64xf32, #tpu.memory_space<hbm>>
    %dma_wait3A_319 = arith.constant 0 : i32
    %dma_wait3A_320 = arith.constant 0 : i32
    %dma_wait3A_321 = tpu.memref_slice %arg2[%dma_wait3A_319, %dma_wait3A_320] : memref<20000x64xf32, #tpu.memory_space<hbm>> -> memref<80x64xf32, #tpu.memory_space<hbm>>
    tpu.wait_dma2 semaphore(%arg21 : memref<!tpu.dma_semaphore, #tpu.memory_space<semaphore_mem>>) src(%dma_wait3A_321 : memref<80x64xf32, #tpu.memory_space<hbm>>) dst(%arg16 : memref<80x64xf32, #tpu.memory_space<vmem>>)
    %dma_start3A_322 = arith.constant 19920 : i32
    %dma_start3A_323 = tpu.memref_slice %arg9[%dma_start3A_322] : memref<20000xi32, #tpu.memory_space<vmem>> -> memref<80xi32, #tpu.memory_space<vmem>>
    %dma_start3A_324 = arith.constant 0 : i32
    %dma_start3A_325 = arith.constant 0 : i32
    %dma_start3A_326 = tpu.memref_slice %arg11[%dma_start3A_324, %dma_start3A_325] : memref<10240x64xf32, #tpu.memory_space<vmem_shared>> -> memref<10240x64xf32, #tpu.memory_space<vmem_shared>>
    tpu.enqueue_indirect_dma source(%arg16 : memref<80x64xf32, #tpu.memory_space<vmem>>) target(%dma_start3A_326 : memref<10240x64xf32, #tpu.memory_space<vmem_shared>>) offsets(%dma_start3A_323 : memref<80xi32, #tpu.memory_space<vmem>>) semaphore(%arg26 : memref<!tpu.dma_semaphore, #tpu.memory_space<semaphore_mem>>) {add = true}
    %dma_wait3A_327 = arith.constant 0 : i32
    %dma_wait3A_328 = arith.constant 0 : i32
    %dma_wait3A_329 = tpu.memref_slice %arg11[%dma_wait3A_327, %dma_wait3A_328] : memref<10240x64xf32, #tpu.memory_space<vmem_shared>> -> memref<80x64xf32, #tpu.memory_space<vmem_shared>>
    %dma_wait3A_330 = arith.constant 0 : i32
    %dma_wait3A_331 = arith.constant 0 : i32
    %dma_wait3A_332 = tpu.memref_slice %arg11[%dma_wait3A_330, %dma_wait3A_331] : memref<10240x64xf32, #tpu.memory_space<vmem_shared>> -> memref<80x64xf32, #tpu.memory_space<vmem_shared>>
    tpu.wait_dma2 semaphore(%arg26 : memref<!tpu.dma_semaphore, #tpu.memory_space<semaphore_mem>>) src(%arg16 : memref<80x64xf32, #tpu.memory_space<vmem>>) dst(%dma_wait3A_332 : memref<80x64xf32, #tpu.memory_space<vmem_shared>>)
    %barrier3A_333 = arith.constant 0 : index
    tpu.barrier barrier_id(%barrier3A_333)
    "tpu.region"() ({
      %run_scoped3A = tpu.sem_alloc : memref<!tpu.dma_semaphore, #tpu.memory_space<semaphore_mem>>
      %dma_start3A_334 = arith.constant 64 : i32
      %dma_start3A_335 = tpu.memref_slice %arg6[%arg0, %mul3A_0, %dma_start3A_334] : memref<2x10240x128xf32, #tpu.memory_space<hbm>> -> memref<1x640x64xf32, #tpu.memory_space<hbm>>
      %dma_start3A_336 = tpu.memref_squeeze %dma_start3A_335 : memref<1x640x64xf32, #tpu.memory_space<hbm>> -> memref<640x64xf32, #tpu.memory_space<hbm>>
      %dma_start3A_337 = arith.constant 0 : i32
      %dma_start3A_338 = tpu.memref_slice %arg11[%mul3A_0, %dma_start3A_337] : memref<10240x64xf32, #tpu.memory_space<vmem_shared>> -> memref<640x64xf32, #tpu.memory_space<vmem_shared>>
      tpu.enqueue_dma source(%dma_start3A_338 : memref<640x64xf32, #tpu.memory_space<vmem_shared>>) target(%dma_start3A_336 : memref<640x64xf32, #tpu.memory_space<hbm>>) target_semaphore(%run_scoped3A : memref<!tpu.dma_semaphore, #tpu.memory_space<semaphore_mem>>)
      %dma_wait3A_339 = arith.constant 64 : i32
      %dma_wait3A_340 = tpu.memref_slice %arg6[%arg0, %mul3A_0, %dma_wait3A_339] : memref<2x10240x128xf32, #tpu.memory_space<hbm>> -> memref<1x640x64xf32, #tpu.memory_space<hbm>>
      %dma_wait3A_341 = tpu.memref_squeeze %dma_wait3A_340 : memref<1x640x64xf32, #tpu.memory_space<hbm>> -> memref<640x64xf32, #tpu.memory_space<hbm>>
      %dma_wait3A_342 = arith.constant 0 : i32
      %dma_wait3A_343 = tpu.memref_slice %arg11[%mul3A_0, %dma_wait3A_342] : memref<10240x64xf32, #tpu.memory_space<vmem_shared>> -> memref<640x64xf32, #tpu.memory_space<vmem_shared>>
      tpu.wait_dma2 semaphore(%run_scoped3A : memref<!tpu.dma_semaphore, #tpu.memory_space<semaphore_mem>>) src(%dma_wait3A_343 : memref<640x64xf32, #tpu.memory_space<vmem_shared>>) dst(%dma_wait3A_341 : memref<640x64xf32, #tpu.memory_space<hbm>>)
      tpu.yield
    }) : () -> ()
    return
  }
}

module attributes {stable_mosaic.version = 14 : i64} {
  func.func @_linear_body(%arg0: i32, %arg1: memref<1024x128xf32, #tpu.memory_space<vmem>>, %arg2: memref<1x1024x128xf32, #tpu.memory_space<vmem>>, %arg3: memref<1x1024x128xf32, #tpu.memory_space<vmem>>, %arg4: memref<1x16x1024xf32, #tpu.memory_space<vmem>>, %arg5: memref<1x16x1024xf32, #tpu.memory_space<vmem>>, %arg6: memref<128x384xf32, #tpu.memory_space<vmem>>, %arg7: memref<1x128xf32, #tpu.memory_space<vmem>>, %arg8: memref<1024x128xf32, #tpu.memory_space<vmem>>) attributes {dimension_semantics = [#tpu.dimension_semantics<arbitrary>], iteration_bounds = array<i64: 10>, scalar_prefetch = 0 : i64, scratch_operands = 0 : i64, tpu.core_type = #tpu.core_type<tc>, window_params = [{transform_indices = @transform_0, window_bounds = array<i64: 1024, 128>}, {transform_indices = @transform_1, window_bounds = array<i64: 1, 1024, 128>}, {transform_indices = @transform_2, window_bounds = array<i64: 1, 1024, 128>}, {transform_indices = @transform_3, window_bounds = array<i64: 1, 16, 1024>}, {transform_indices = @transform_4, window_bounds = array<i64: 1, 16, 1024>}, {pipeline_mode = #tpu.pipeline_mode<synchronous>, transform_indices = @transform_5, window_bounds = array<i64: 128, 384>}, {pipeline_mode = #tpu.pipeline_mode<synchronous>, transform_indices = @transform_6, window_bounds = array<i64: 1, 128>}, {transform_indices = @transform_7, window_bounds = array<i64: 1024, 128>}]} {
    %get3A = arith.constant 0 : index
    %get3A_0 = arith.constant 0 : index
    %get3A_1 = vector.load %arg1[%get3A, %get3A_0] : memref<1024x128xf32, #tpu.memory_space<vmem>>, vector<1024x128xf32>
    %get3A_2 = arith.constant 0 : index
    %get3A_3 = arith.constant 0 : index
    %get3A_4 = arith.constant 0 : index
    %get3A_5 = vector.load %arg4[%get3A_2, %get3A_3, %get3A_4] : memref<1x16x1024xf32, #tpu.memory_space<vmem>>, vector<1x16x1024xf32>
    %get3A_6 = vector.shape_cast %get3A_5 : vector<1x16x1024xf32> to vector<16x1024xf32>
    %reduce_sum3A = arith.constant dense<0.000000e+00> : vector<1024xf32>
    %reduce_sum3A_7 = vector.multi_reduction <add>, %get3A_6, %reduce_sum3A [0] : vector<16x1024xf32> to vector<1024xf32>
    %broadcast_in_dim3A = vector.shape_cast %reduce_sum3A_7 : vector<1024xf32> to vector<1024x1xf32>
    %get3A_8 = arith.constant 0 : index
    %get3A_9 = arith.constant 0 : index
    %get3A_10 = arith.constant 0 : index
    %get3A_11 = vector.load %arg5[%get3A_8, %get3A_9, %get3A_10] : memref<1x16x1024xf32, #tpu.memory_space<vmem>>, vector<1x16x1024xf32>
    %get3A_12 = vector.shape_cast %get3A_11 : vector<1x16x1024xf32> to vector<16x1024xf32>
    %reduce_sum3A_13 = arith.constant dense<0.000000e+00> : vector<1024xf32>
    %reduce_sum3A_14 = vector.multi_reduction <add>, %get3A_12, %reduce_sum3A_13 [0] : vector<16x1024xf32> to vector<1024xf32>
    %broadcast_in_dim3A_15 = vector.shape_cast %reduce_sum3A_14 : vector<1024xf32> to vector<1024x1xf32>
    %max3A = arith.constant 1.000000e+00 : f32
    %max3A_16 = vector.broadcast %max3A : f32 to vector<1024x1xf32>
    %max3A_17 = arith.maximumf %broadcast_in_dim3A, %max3A_16 : vector<1024x1xf32>
    %div3A = arith.constant 1.000000e+00 : f32
    %div3A_18 = vector.broadcast %div3A : f32 to vector<1024x1xf32>
    %div3A_19 = arith.divf %div3A_18, %max3A_17 : vector<1024x1xf32>
    %max3A_20 = arith.constant 1.000000e+00 : f32
    %max3A_21 = vector.broadcast %max3A_20 : f32 to vector<1024x1xf32>
    %max3A_22 = arith.maximumf %broadcast_in_dim3A_15, %max3A_21 : vector<1024x1xf32>
    %div3A_23 = arith.constant 1.000000e+00 : f32
    %div3A_24 = vector.broadcast %div3A_23 : f32 to vector<1024x1xf32>
    %div3A_25 = arith.divf %div3A_24, %max3A_22 : vector<1024x1xf32>
    %get3A_26 = arith.constant 0 : index
    %get3A_27 = arith.constant 0 : index
    %get3A_28 = arith.constant 0 : index
    %get3A_29 = vector.load %arg2[%get3A_26, %get3A_27, %get3A_28] : memref<1x1024x128xf32, #tpu.memory_space<vmem>>, vector<1x1024x128xf32>
    %get3A_30 = vector.shape_cast %get3A_29 : vector<1x1024x128xf32> to vector<1024x128xf32>
    %mul3A = vector.broadcast %div3A_19 : vector<1024x1xf32> to vector<1024x128xf32>
    %mul3A_31 = arith.mulf %get3A_30, %mul3A : vector<1024x128xf32>
    %get3A_32 = arith.constant 0 : index
    %get3A_33 = arith.constant 0 : index
    %get3A_34 = arith.constant 0 : index
    %get3A_35 = vector.load %arg3[%get3A_32, %get3A_33, %get3A_34] : memref<1x1024x128xf32, #tpu.memory_space<vmem>>, vector<1x1024x128xf32>
    %get3A_36 = vector.shape_cast %get3A_35 : vector<1x1024x128xf32> to vector<1024x128xf32>
    %mul3A_37 = vector.broadcast %div3A_25 : vector<1024x1xf32> to vector<1024x128xf32>
    %mul3A_38 = arith.mulf %get3A_36, %mul3A_37 : vector<1024x128xf32>
    %concatenate3A = tpu.concatenate %get3A_1, %mul3A_31, %mul3A_38 in 1 : vector<1024x128xf32>, vector<1024x128xf32>, vector<1024x128xf32> -> vector<1024x384xf32>
    %get3A_39 = arith.constant 0 : index
    %get3A_40 = arith.constant 0 : index
    %get3A_41 = vector.load %arg6[%get3A_39, %get3A_40] : memref<128x384xf32, #tpu.memory_space<vmem>>, vector<128x384xf32>
    %dot_general3A = arith.constant dense<0.000000e+00> : vector<1024x128xf32>
    %dot_general3A_42 = tpu.matmul %concatenate3A, %get3A_41, %dot_general3A {dimension_numbers = #tpu.dot_dimension_numbers<[1], [1], [0], [0], [0, 0, 1, 0], [], []>, transpose_lhs_hint = false} : vector<1024x384xf32>, vector<128x384xf32>, vector<1024x128xf32> -> vector<1024x128xf32>
    %get3A_43 = arith.constant 0 : index
    %get3A_44 = arith.constant 0 : index
    %get3A_45 = vector.load %arg7[%get3A_43, %get3A_44] : memref<1x128xf32, #tpu.memory_space<vmem>>, vector<1x128xf32>
    %add3A = vector.broadcast %get3A_45 : vector<1x128xf32> to vector<1024x128xf32>
    %add3A_46 = arith.addf %dot_general3A_42, %add3A : vector<1024x128xf32>
    %swap3A = arith.constant 0 : index
    %swap3A_47 = arith.constant 0 : index
    %swap3A_48 = vector.load %arg8[%swap3A, %swap3A_47] : memref<1024x128xf32, #tpu.memory_space<vmem>>, vector<1024x128xf32>
    tpu.vector_store %arg8[%swap3A, %swap3A_47], %add3A_46 {strides = array<i32>} : memref<1024x128xf32, #tpu.memory_space<vmem>>, vector<1024x128xf32>,
    return
  }
  func.func @transform_0(%arg0: i32) -> (i32, i32) {
    %c0_i32 = arith.constant 0 : i32
    %c0_i32_0 = arith.constant 0 : i32
    return %arg0, %c0_i32 : i32, i32
  }
  func.func @transform_1(%arg0: i32) -> (i32, i32, i32) {
    %c0_i32 = arith.constant 0 : i32
    %c0_i32_0 = arith.constant 0 : i32
    %c0_i32_1 = arith.constant 0 : i32
    return %c0_i32, %arg0, %c0_i32_0 : i32, i32, i32
  }
  func.func @transform_2(%arg0: i32) -> (i32, i32, i32) {
    %c1_i32 = arith.constant 1 : i32
    %c0_i32 = arith.constant 0 : i32
    %c0_i32_0 = arith.constant 0 : i32
    return %c1_i32, %arg0, %c0_i32 : i32, i32, i32
  }
  func.func @transform_3(%arg0: i32) -> (i32, i32, i32) {
    %c0_i32 = arith.constant 0 : i32
    %c0_i32_0 = arith.constant 0 : i32
    %c0_i32_1 = arith.constant 0 : i32
    return %c0_i32, %c0_i32_0, %arg0 : i32, i32, i32
  }
  func.func @transform_4(%arg0: i32) -> (i32, i32, i32) {
    %c1_i32 = arith.constant 1 : i32
    %c0_i32 = arith.constant 0 : i32
    %c0_i32_0 = arith.constant 0 : i32
    return %c1_i32, %c0_i32, %arg0 : i32, i32, i32
  }
  func.func @transform_5(%arg0: i32) -> (i32, i32) {
    %c0_i32 = arith.constant 0 : i32
    %c0_i32_0 = arith.constant 0 : i32
    %c0_i32_1 = arith.constant 0 : i32
    return %c0_i32, %c0_i32_0 : i32, i32
  }
  func.func @transform_6(%arg0: i32) -> (i32, i32) {
    %c0_i32 = arith.constant 0 : i32
    %c0_i32_0 = arith.constant 0 : i32
    %c0_i32_1 = arith.constant 0 : i32
    return %c0_i32, %c0_i32_0 : i32, i32
  }
  func.func @transform_7(%arg0: i32) -> (i32, i32) {
    %c0_i32 = arith.constant 0 : i32
    %c0_i32_0 = arith.constant 0 : i32
    return %arg0, %c0_i32 : i32, i32
  }
}

</mosaic_0001>

<sc_bundles>
// kernel: kernel.4.cloned.1.call-start
scs
__scs_entry_jumppad:
0x0: {  	(pc) =	sbr.rel $0x88, $3  }
0x1: {  	(tag) =	ssettag $0x0;
	lr =	simm.s32 $0x1  }
0x2: {  	[smem:$0x3F9D] =	sst lr;
	_ =	strace $0xD0000000  }
0x3: {  	_ = 	snop  }
0x4: {  	_ = 	snop  }
0x5: {  	_ = 	snop  }
0x6: {  	_ = 	snop  }
0x7: {  	_ = 	snop  }
__scs_overlays_trampoline_lowered:
0x8: {  	[smem:$0x3FAC] =	sst s0  }
0x9: {  	[smem:$0x3FAD] =	sst s1  }
0xa: {  	[smem:$0x3FAE] =	sst s2  }
0xb: {  	[smem:$0x3FAF] =	sst s3  }
0xc: {  	[smem:$0x3FB0] =	sst s4  }
0xd: {  	[smem:$0x3FB1] =	sst s5  }
0xe: {  	[smem:$0x3FB2] =	sst s6  }
0xf: {  	[smem:$0x3FB3] =	sst s7  }
0x10: {  	[smem:$0x3FB4] =	sst s8  }
0x11: {  	[smem:$0x3FB5] =	sst s9;
	s0 =	simm.s32 @!p0 $0x0  }
0x12: {  	s1 =	sld [smem:$0x3F9B];
	s0 =	simm.s32 @p0 $0x1  }
0x13: {  	[smem:$0x3FB6] =	sst s0;
	s0 =	simm.s32 @!p1 $0x0  }
0x14: {  	s2 =	sld [smem:$0x3F9A];
	s0 =	simm.s32 @p1 $0x1  }
0x15: {  	[smem:$0x3FB7] =	sst s0;
	s0 =	simm.s32 @!p2 $0x0  }
0x16: {  	s3 =	sld [smem:$0x3FDB];
	s0 =	simm.s32 @p2 $0x1  }
0x17: {  	s4 =	simm.s32 $0x1BF5;
	[smem:$0x3FB9] =	sst s0  }
0x18: {  	s0 =	sld [smem:$0x3F9C];
	_ =	swait.ge [sflag:s4], $0x0  }
0x19: {  	s7 =	sld [smem:$0x3F9D]  }
0x1a: {  	s8 =	sadd.s32 $0xFFFFE003, lr  }
0x1b: {  	s9 =	sadd.s32 $0xFFFFFEF7, lr;
	s5 =	simm.s32 $0xFFFFFFFF;
	p2 =	slt.u32 s8, $0xFFFFF086  }
0x1c: {  	p1 =	slt.u32 s9, $0xF7A;
	s5 =	simm.s32 @!p2 $0x0  }
0x1d: {  	s5 =	simm.s32 @p1 $0x1;
	p0 =	seq.s32 s7, s2  }
0x1e: {  	s7 =	smul.u32 @!p0 $0xF7A, s2;
	p2 =	seq.s32 @!p0 s5, $0x0  }
0x1f: {  	s9 =	smul.u32 $0xF7A, s1;
	s8 =	simm.s32 @!p0 $0x1BF5;
	p2 =	por !p2, p0  }
0x20: {  	[sflag:s8] =	ssyncset.s32 @!p0 $0xFFFFF086;
	s6 =	sadd.s32 @!p0 s3, s7;
	s7 =	simm.s32 @!p0 $0x108  }
0x21: {  	s3 =	sadd.s32 s3, s9;
	s6 =	sadd.s32 @!p0 $0x88, s6;
	s7 =	simm.s32 @p2 $0x1082  }
0x22: {  	[simem:s7], [sflag:s8] =	dma.local @!p0 [hbm:s6], $0xF7A  }
0x23: {  	s9 =	sor.u32 $0xD0000000, s2;
	s6 =	simm.s32 $0x108;
	_ =	swait.ge @!p0 [sflag:s8], $0x0  }
0x24: {  	s3 =	sadd.s32 $0x88, s3;
	s6 =	simm.s32 @!p1 $0x1082;
	[sflag:s4] =	ssyncset.s32 $0xFFFFF086  }
0x25: {  	[simem:s6], [sflag:s4] =	dma.local [hbm:s3], $0xF7A  }
0x26: {  	[smem:$0x3F9D] =	sst s1;
	(tag) =	ssettag s2;
	_ =	strace s9  }
0x27: {  	s1 =	sld [smem:$0x3FAD]  }
0x28: {  	s2 =	sld [smem:$0x3FAE]  }
0x29: {  	s4 =	sld [smem:$0x3FB0]  }
0x2a: {  	p0 =	seq.s32 s5, $0x0;
	s5 =	sld [smem:$0x3FB1]  }
0x2b: {  	s6 =	sld [smem:$0x3FB2]  }
0x2c: {  	s7 =	sld [smem:$0x3FB3]  }
0x2d: {  	s3 =	simm.s32 $0x108;
	s8 =	sld [smem:$0x3FB4]  }
0x2e: {  	s3 =	simm.s32 @!p0 $0x1082;
	s9 =	sld [smem:$0x3FB5]  }
0x2f: {  	lr =	sadd.s32 s0, s3;
	s0 =	sld [smem:$0x3FAC]  }
0x30: {  	s3 =	sld [smem:$0x3FAF]  }
0x31: {  	[smem:$0x3FB8] =	sst s10  }
0x32: {  	s10 =	sld [smem:$0x3FB6];
	_ =	sdelay $0x3  }
0x33: {  	p0 =	seq.s32 s10, $0x1;
	s10 =	sld [smem:$0x3FB8];
	_ =	sdelay $0x3  }
0x34: {  	[smem:$0x3FB8] =	sst s10  }
0x35: {  	s10 =	sld [smem:$0x3FB7];
	_ =	sdelay $0x3  }
0x36: {  	p1 =	seq.s32 s10, $0x1;
	s10 =	sld [smem:$0x3FB8];
	_ =	sdelay $0x3  }
0x37: {  	[smem:$0x3FB8] =	sst s10  }
0x38: {  	s10 =	sld [smem:$0x3FB9]  }
0x39: {  	_ = 	snop;
	(pc) =	sbr.ind lr, $3  }
0x3a: {  	_ = 	snop  }
0x3b: {  	_ = 	snop  }
0x3c: {  	p2 =	seq.s32 s10, $0x1;
	s10 =	sld [smem:$0x3FB8]  }
0x3d: {  	_ =	shalt  }
0x3e: {  	_ =	shalt  }
0x3f: {  	_ =	shalt  }
0x40: {  	_ =	shalt  }
0x41: {  	_ =	shalt  }
0x42: {  	_ =	shalt  }
0x43: {  	_ =	shalt  }
0x44: {  	_ =	shalt  }
0x45: {  	_ =	shalt  }
0x46: {  	_ =	shalt  }
0x47: {  	_ =	shalt  }
0x48: {  	_ =	shalt  }
0x49: {  	_ =	shalt  }
0x4a: {  	_ =	shalt  }
0x4b: {  	_ =	shalt  }
0x4c: {  	_ =	shalt  }
0x4d: {  	_ =	shalt  }
0x4e: {  	_ =	shalt  }
0x4f: {  	_ =	shalt  }
0x50: {  	_ =	shalt  }
0x51: {  	_ =	shalt  }
0x52: {  	_ =	shalt  }
0x53: {  	_ =	shalt  }
0x54: {  	_ =	shalt  }
0x55: {  	_ =	shalt  }
0x56: {  	_ =	shalt  }
0x57: {  	_ =	shalt  }
0x58: {  	_ =	shalt  }
0x59: {  	_ =	shalt  }
0x5a: {  	_ =	shalt  }
0x5b: {  	_ =	shalt  }
0x5c: {  	_ =	shalt  }
0x5d: {  	_ =	shalt  }
0x5e: {  	_ =	shalt  }
0x5f: {  	_ =	shalt  }
0x60: {  	_ =	shalt  }
0x61: {  	_ =	shalt  }
0x62: {  	_ =	shalt  }
0x63: {  	_ =	shalt  }
0x64: {  	_ =	shalt  }
0x65: {  	_ =	shalt  }
0x66: {  	_ =	shalt  }
0x67: {  	_ =	shalt  }
0x68: {  	_ =	shalt  }
0x69: {  	_ =	shalt  }
0x6a: {  	_ =	shalt  }
0x6b: {  	_ =	shalt  }
0x6c: {  	_ =	shalt  }
0x6d: {  	_ =	shalt  }
0x6e: {  	_ =	shalt  }
0x6f: {  	_ =	shalt  }
0x70: {  	_ =	shalt  }
0x71: {  	_ =	shalt  }
0x72: {  	_ =	shalt  }
0x73: {  	_ =	shalt  }
0x74: {  	_ =	shalt  }
0x75: {  	_ =	shalt  }
0x76: {  	_ =	shalt  }
0x77: {  	_ =	shalt  }
0x78: {  	_ =	shalt  }
0x79: {  	_ =	shalt  }
0x7a: {  	_ =	shalt  }
0x7b: {  	_ =	shalt  }
0x7c: {  	_ =	shalt  }
0x7d: {  	_ =	shalt  }
0x7e: {  	_ =	shalt  }
0x7f: {  	_ =	shalt  }
0x80: {  	_ =	shalt  }
0x81: {  	_ =	shalt  }
0x82: {  	_ =	shalt  }
0x83: {  	_ =	shalt  }
0x84: {  	_ =	shalt  }
0x85: {  	_ =	shalt  }
0x86: {  	_ =	shalt  }
0x87: {  	_ =	shalt  }
.Lfunc_end0:
.L_simem_size_0:
called_computation_lowered:
.L_overlay_start_0:
0x88: {  	s2 =	sld [smem:$0x3FD9]  }
0x89: {  	s3 =	sld [smem:$0x3FFE];
	_ =	sdelay $0x1  }
0x8a: {  	s1 =	srdreg.scid  }
0x8b: {  	s0 =	sand.u32 $0x1, s1  }
0x8c: {  	s17 =	sshll.u32 s0, $0xA;
	s2 =	sadd.s32 s3, s2  }
0x8d: {  	s2 =	sadd.s32 s2, s17  }
0x8e: {  	[smem:$0x3FC4] =	sst s2  }
0x8f: {  	_ = 	snop  }
0x90: {  	s2 =	sld [smem:$0x3FC9]  }
0x91: {  	s18 =	sld [smem:$0x3FD0];
	(tm) =	ssettm $0x1  }
0x92: {  	s4 =	sld [smem:$0x3FFB];
	_ =	sdelay $0x3  }
0x93: {  	_ =	strace s4  }
0x94: {  	s4 =	sld [smem:$0x3FFC];
	_ =	sdelay $0x3  }
0x95: {  	_ =	strace s4  }
0x96: {  	s4 =	sld [smem:$0x3FFD];
	_ =	sdelay $0x3  }
0x97: {  	_ =	strace s4  }
0x98: {  	_ =	strace $0x8FFFFFFF  }
0x99: {  	s19 =	sld [smem:$0x3FDB];
	_ =	sdelay $0x1  }
0x9a: {  	s5 =	simm.s32 $_scs_section_size  }
0x9b: {  	s6 =	simm.s32 $_size__tile_overlayer_lowered;
	s7 =	simm.s32 $_tile_overlayer_lowered  }
0x9c: {  	s22 =	simm.s32 $0x1BFF;
	s21 =	sshll.u32 s7, $0x1;
	s4 =	sadd.s32 s5, s19  }
0x9d: {  	s8 =	simm.s32 $0x0;
	s20 =	sshll.u32 s6, $0x1;
	s6 =	sadd.s32 s21, s4  }
0x9e: {  	[timem:s8], [sflag:s22] =	dma.local [hbm:s6], s20  }
0x9f: {  	_ =	swait.ge [sflag:s22], s20  }
0xa0: {  	s5 =	ssub.s32 $0x0, s20;
	[sflag:s22] =	ssyncset.done $0x0  }
0xa1: {  	[sflag:s22] =	ssyncadd.s32 s5;
	_ =	sdelay $0x1  }
0xa2: {  	s23 =	simm.s32 $0x1B8B  }
0xa3: {  	_ =	swait.ge [sflag:s23], $0x1  }
0xa4: {  	[sflag:s23] =	ssyncset.done $0x0  }
0xa5: {  	s25 =	simm.s32 $0x1B8E;
	s24 =	sld [smem:$0x3FFE];
	[sflag:s23] =	ssyncadd.s32 $0xFFFFFFFF  }
0xa6: {  	s26 =	simm.s32 $execute0_lowered;
	[smem:$0x3FD2] =	sst s25  }
0xa7: {  	s6 =	sshll.u32 s26, $0x1;
	_ =	strace $0x80000046;
	[dreg:$0x1] =	wrdreg $0xFFFFFFFF  }
0xa8: {  	s28 =	simm.s32 $_size_execute0_lowered;
	s4 =	sadd.s32 s4, s6;
	[dreg:$0x0] =	wrdreg $0x0  }
0xa9: {  	s6 =	sshll.u32 s28, $0x1;
	[dreg:$0x2] =	wrdreg s4  }
0xaa: {  	[dreg:$0x3] =	wrdreg s6  }
0xab: {  	[dreg:$0x4] =	wrdreg $0xC0  }
0xac: {  	_ =	task [dreg:s8], $0x5FFFF  }
0xad: {  	[dreg:$0x1] =	wrdreg $0xFFFFFFFF  }
0xae: {  	[dreg:$0x0] =	wrdreg $0x60  }
0xaf: {  	[dreg:$0x2] =	wrdreg s2  }
0xb0: {  	[dreg:$0x3] =	wrdreg s18  }
0xb1: {  	[dreg:$0x4] =	wrdreg s24  }
0xb2: {  	[dreg:$0x5] =	wrdreg $0xC4400  }
0xb3: {  	[dreg:$0x6] =	wrdreg $0x9  }
0xb4: {  	_ =	task.clear_ibuf [dreg:s8], $0x7FFFF;
	_ =	strace $0x90000046  }
0xb5: {  	s29 =	simm.s32 $0x9;
	_ =	strace $0x80000048  }
0xb6: {  	_ =	swait.ge [sflag:s29], $0x1  }
0xb7: {  	[sflag:s29] =	ssyncadd.s32 $0xFFFFFFFF  }
0xb8: {  	_ =	strace $0x90000048  }
0xb9: {  	_ =	sfence  }
0xba: {  	s30 =	sld [smem:$0x0];
	_ =	sdelay $0x2  }
0xbb: {  	s31 =	sshll.u32 s1, $0xD;
	s1 =	sshrl.u32 s1, $0x2  }
0xbc: {  	s3 =	sand.u32 $0x4000, s31;
	s1 =	sadd.s32 s1, s30  }
0xbd: {  	s0 =	sor.u32 s3, s0;
	s1 =	sshll.u32 s1, $0x11  }
0xbe: {  	s0 =	sor.u32 s1, s0  }
0xbf: {  	s0 =	sadd.s32 $0x8F2B, s0  }
0xc0: {  	[sflag:s0] =	ssyncadd.remote.s32 $0x1  }
0xc1: {  	_ =	sfence.sel $0xFFFF  }
0xc2: {  	[dreg:$0x0] =	wrdreg $0xFFFFFFFF;
	(pc) =	sbr.abs _section_cstart, $3  }
0xc3: {  	[dreg:$0x1] =	wrdreg $0xFFFFFFFF  }
0xc4: {  	_ =	task.clear_ibuf [dreg:s8], $0x2FFFF;
	_ =	strace $0x9FFFFFFF  }
0xc5: {  	(tm) =	ssettm $0x7FFFFFFF  }
tec
execute0_lowered:
.L_overlay_start_1:
0x0: {  	(tag) =	ssettag $0x1  }
0x1: {  	s0 =	rddreg [dreg:$0x0]  }
0x2: {  	s1 =	rddreg [dreg:$0x1]  }
0x3: {  	s2 =	rddreg [dreg:$0x2]  }
0x4: {  	s4 =	srdreg.scid;
	s13 =	stileid.u32  }
0x5: {  	s3 =	rddreg [dreg:$0x3];
	s14 =	simm.s32 $0xB;
	s7 =	smul.u32 $0x14000, s13  }
0x6: {  	s26 =	simm.s32 $0x4E20;
	s28 =	simm.s32 $0x1B440;
	s9 =	smul.u32 $0x2800, s13  }
0x7: {  	s29 =	simm.s32 $0x1;
	s30 =	simm.s32 $0x6;
	s17 =	smul.u32 $0x4E20, s13  }
0x8: {  	s31 =	simm.s32 $0x2;
	s6 =	sand.u32 $0x1, s4;
	s12 =	smul.u32 $0x28000, s13  }
0x9: {  	s15 =	simm.s32 $0x5;
	s4 =	simm.s32 $0x0;
	s5 =	smul.u32 $0x140000, s6  }
0xa: {  	s10 =	sadd.s32 $0x1600, s2;
	s25 =	sshll.u32 s13, $0x6;
	s8 =	smul.u32 $0x28000, s6  }
0xb: {  	[smem:$0x7FF] =	sst s4;
	s16 =	smul.u32 $0x4E200, s6;
	s11 =	sxor.u32 $0x1, s6  }
0xc: {  	s6 =	ssub.s32 $0x2, s6;
	_ =	strace $0x80000047;
	[dreg:$0x5] =	wrdreg s10  }
0xd: {  	s18 =	smul.u32 $0x4E200, s11;
	s19 =	sshrl.u32 s6, $0x1;
	s20 =	sshrl.u32 s12, $0x2  }
0xe: {  	s11 =	sadd.s32 $0x8, s0;
	s10 =	simm.s32 $0x10;
	s12 =	simm.s32 $0x0  }
0xf: {  	s7 =	sadd.s32 s7, s5;
	s5 =	sadd.s32 $0x1C00, s2;
	s8 =	sadd.s32 s9, s8  }
0x10: {  	s9 =	sadd.s32 s17, s16;
	s6 =	ssub.s32 s6, s19;
	s21 =	sadd.s32 s20, s3  }
0x11: {  	s16 =	sor.u32 $0x1C0B, s25;
	s19 =	simm.s32 $0x50;
	s20 =	simm.s32 $0x16440  }
0x12: {  	s25 =	simm.s32 $0x1A040;
	s7 =	sshrl.u32 s7, $0x3;
	s8 =	sshrl.u32 s8, $0x3  }
0x13: {  	s9 =	sshrl.u32 s9, $0x3;
	s24 =	smax.u32 s6, $0x1;
	s6 =	simm.s32 $0x8  }
0x14: {  	s7 =	sadd.s32 s7, s2;
	s2 =	sadd.s32 s8, s2;
	s8 =	sadd.s32 s17, s18  }
0x15: {  	s9 =	sadd.s32 s1, s9;
	[dreg:$0xb] =	wrdreg s24;
	s17 =	sshrl.u32 s21, $0x3  }
0x16: {  	s18 =	simm.s32 $0x9C40;
	s21 =	simm.s32 $0x17840;
	[dreg:$0x6] =	wrdreg s9  }
0x17: {  	s8 =	sshrl.u32 s8, $0x3;
	s22 =	sadd.s32 $0xD000, s7;
	s2 =	sadd.s32 $0x3000, s2  }
0x18: {  	s23 =	sadd.s32 $0xD008, s7;
	s7 =	simm.s32 $0x4;
	[dreg:$0x8] =	wrdreg s22  }
0x19: {  	s9 =	simm.s32 $0xA;
	s1 =	sadd.s32 s1, s8;
	[dreg:$0x9] =	wrdreg s2  }
0x1a: {  	[dreg:$0xa] =	wrdreg s23;
	s23 =	simm.s32 $0x18C40;
	s2 =	simm.s32 $0x3  }
0x1b: {  	v0 =	vimm.f32 $1.000000000e+00;
	s8 =	simm.s32 $0x9;
	[dreg:$0x7] =	wrdreg s1;
	s1 =	simm.s32 $0x7  }
.LBB2_1:
0x1c: {  	s13 =	rddreg [dreg:$0x6]  }
0x1d: {  	[tilespmem:s4], [sflag:$0xB] =	stream.linear.gather [hbm4b:s13+s4], $0x4E20, $0x38;
	[tilespmem:$0x1C840] =	vst v63  }
0x1e: {  	_ =	swait.ge [sflag:s14], $0x4E20  }
0x1f: {  	[sflag:s14] =	ssyncset.done $0x0  }
0x20: {  	s24 =	rddreg [dreg:$0x7];
	[sflag:s14] =	ssyncadd.s32 $0xFFFFB1E0  }
0x21: {  	[tilespmem:s26], [sflag:$0xB] =	stream.linear.gather [hbm4b:s24+s4], $0x4E20, $0x38;
	[tilespmem:$0x1C840] =	vst v63  }
0x22: {  	_ =	swait.ge [sflag:s14], $0x4E20  }
0x23: {  	[sflag:s14] =	ssyncset.done $0x0  }
0x24: {  	[sflag:s14] =	ssyncadd.s32 $0xFFFFB1E0  }
0x25: {  	[spmem:s17], [sflag:s16] =	dma.local [hbm:s5], $0x1400  }
0x26: {  	_ =	swait.ge [sflag:s14], $0x1400  }
0x27: {  	[sflag:s14] =	ssyncset.done $0x0  }
0x28: {  	s26 =	rddreg [dreg:$0x5];
	[sflag:s14] =	ssyncadd.s32 $0xFFFFEC00  }
0x29: {  	[tilespmem:s18], [sflag:$0xB] =	stream.linear.gather [hbm4b:s26+s4], $0x2800, $0x38;
	[tilespmem:$0x1C840] =	vst v63  }
0x2a: {  	_ =	swait.ge [sflag:s14], $0x2800  }
0x2b: {  	[sflag:s14] =	ssyncset.done $0x0  }
0x2c: {  	s22 =	simm.s32 $0x40;
	s13 =	simm.s32 $0x0;
	[sflag:s14] =	ssyncadd.s32 $0xFFFFD800  }
.LBB2_2:
0x2d: {  	p0 =	sne.s32 s22, $0x13840;
	v1 =	vld [tilespmem:s13+$0x0];
	_ =	sdelay $0x1  }
.Ltmp0:
0x2e: {  	(pc) =	sbr.rel @p0 .LBB2_2-.Ltmp0, $3  }
0x2f: {  	_ =	sdelay $0x1  }
0x30: {  	v1 =	vshll.u32 v1, $0x1  }
0x31: {  	[tilespmem:s13+$0x0] =	vst v1;
	s13 =	sshra.s32 s22, $0x2;
	s22 =	sadd.s32 $0x40, s22  }
0x32: {  	v1 =	vld [tilespmem:s13+$0x0];
	_ =	sdelay $0x4  }
0x33: {  	v1 =	vshll.u32 v1, $0x1  }
0x34: {  	[tilespmem:s13+$0x0] =	vst v1  }
0x35: {  	s13 =	simm.s32 $0x0;
	[bflag:$0x0] =	sbarrier.arrive $0xFFFF  }
0x36: {  	[tilespmem:s20], [sflag:$0x1] =	stream.indirect.gather [hbm4b:s0+s19], $0x40, s13, s19, $0xb8;
	[tilespmem:$0x1C840] =	vst v63  }
0x37: {  	_ = 	snop  }
0x38: {  	[tilespmem:s21], [sflag:$0x2] =	stream.indirect.gather [hbm4b:s0+s19], $0x40, s19, s19, $0xb8;
	[tilespmem:$0x1C840] =	vst v63  }
0x39: {  	s22 =	simm.s32 $0xA0  }
0x3a: {  	[tilespmem:s23], [sflag:$0x3] =	stream.indirect.gather [hbm4b:s0+s19], $0x40, s22, s19, $0xb8;
	[tilespmem:$0x1C840] =	vst v63  }
0x3b: {  	s24 =	simm.s32 $0xF0  }
0x3c: {  	[tilespmem:s25], [sflag:$0x4] =	stream.indirect.gather [hbm4b:s0+s19], $0x40, s24, s19, $0xb8;
	[tilespmem:$0x1C840] =	vst v63  }
0x3d: {  	s26 =	simm.s32 $0x140  }
0x3e: {  	[tilespmem:s28], [sflag:$0x5] =	stream.indirect.gather [hbm4b:s0+s19], $0x40, s26, s19, $0xb8;
	[tilespmem:$0x1C840] =	vst v63  }
.LBB2_4:
0x3f: {  	p0 =	seq.s32 s13, $0x0  }
0x40: {  	s22 =	simm.s32 @!p0 $0xA  }
0x41: {  	_ =	swait.ge @!p0 [sflag:s22], $0x1400  }
0x42: {  	[sflag:s22] =	ssyncset.done @!p0 $0x0  }
0x43: {  	[sflag:s22] =	ssyncadd.s32 @!p0 $0xFFFFEC00;
	s22 =	sshra.s32 @!p0 s13, $0x2  }
0x44: {  	s24 =	simm.s32 @!p0 $0x50;
	s26 =	simm.s32 @!p0 $0x1B440;
	s22 =	sadd.s32 @!p0 $0x140, s22  }
0x45: {  	[tilespmem:s26], [sflag:$0x5] =	stream.indirect.gather @!p0 [hbm4b:s0+s24], $0x40, s22, s24, $0xb8;
	[tilespmem:$0x1C840] =	vst v63  }
0x46: {  	s22 =	smov.u32 s13  }
0x47: {  	s22 =	simm.s32 @p0 $0x0;
	_ =	swait.ge [sflag:s29], $0x1400  }
0x48: {  	[sflag:s29] =	ssyncset.done $0x0;
	s22 =	sshra.s32 s22, $0x2  }
0x49: {  	[sflag:s29] =	ssyncadd.s32 $0xFFFFEC00;
	s26 =	sadd.s32 $0x4E20, s22  }
0x4a: {  	[spmem:s3] =	stream.indirect.scatter.add.f32 [tilespmem:s20], [sflag:$0x6], $0x40, s26, s19, $0xb8;
	[tilespmem:$0x1C840] =	vst v63  }
0x4b: {  	v1 =	vld [tilespmem:s22+$0x4E20];
	_ =	sdelay $0x7  }
0x4c: {  	[tilespmem:v1+s18+$0x0] =	vst.idx.add.f32.msk $0xffff, v0  }
0x4d: {  	v1 =	vld [tilespmem:s22+$0x4E30];
	_ =	sdelay $0x7  }
0x4e: {  	[tilespmem:v1+s18+$0x0] =	vst.idx.add.f32.msk $0xffff, v0  }
0x4f: {  	v1 =	vld [tilespmem:s22+$0x4E40];
	_ =	sdelay $0x7  }
0x50: {  	[tilespmem:v1+s18+$0x0] =	vst.idx.add.f32.msk $0xffff, v0  }
0x51: {  	v1 =	vld [tilespmem:s22+$0x4E50];
	_ =	sdelay $0x7  }
0x52: {  	[tilespmem:v1+s18+$0x0] =	vst.idx.add.f32.msk $0xffff, v0  }
0x53: {  	v1 =	vld [tilespmem:s22+$0x4E60];
	_ =	sdelay $0x7  }
0x54: {  	[tilespmem:v1+s18+$0x0] =	vst.idx.add.f32.msk $0xffff, v0  }
0x55: {  	_ =	swait.ge [sflag:s30], $0x1400  }
0x56: {  	[sflag:s30] =	ssyncset.done $0x0  }
0x57: {  	s26 =	sadd.s32 $0x190, s22;
	[sflag:s30] =	ssyncadd.s32 $0xFFFFEC00  }
0x58: {  	[tilespmem:s20], [sflag:$0x1] =	stream.indirect.gather [hbm4b:s0+s19], $0x40, s26, s19, $0xb8;
	[tilespmem:$0x1C840] =	vst v63  }
0x59: {  	_ =	swait.ge [sflag:s31], $0x1400  }
0x5a: {  	[sflag:s31] =	ssyncset.done $0x0  }
0x5b: {  	s26 =	sadd.s32 $0x4E70, s22;
	[sflag:s31] =	ssyncadd.s32 $0xFFFFEC00  }
0x5c: {  	[spmem:s3] =	stream.indirect.scatter.add.f32 [tilespmem:s21], [sflag:$0x7], $0x40, s26, s19, $0xb8;
	[tilespmem:$0x1C840] =	vst v63  }
0x5d: {  	v1 =	vld [tilespmem:s22+$0x4E70];
	_ =	sdelay $0x7  }
0x5e: {  	[tilespmem:v1+s18+$0x0] =	vst.idx.add.f32.msk $0xffff, v0  }
0x5f: {  	v1 =	vld [tilespmem:s22+$0x4E80];
	_ =	sdelay $0x7  }
0x60: {  	[tilespmem:v1+s18+$0x0] =	vst.idx.add.f32.msk $0xffff, v0  }
0x61: {  	v1 =	vld [tilespmem:s22+$0x4E90];
	_ =	sdelay $0x7  }
0x62: {  	[tilespmem:v1+s18+$0x0] =	vst.idx.add.f32.msk $0xffff, v0  }
0x63: {  	v1 =	vld [tilespmem:s22+$0x4EA0];
	_ =	sdelay $0x7  }
0x64: {  	[tilespmem:v1+s18+$0x0] =	vst.idx.add.f32.msk $0xffff, v0  }
0x65: {  	v1 =	vld [tilespmem:s22+$0x4EB0];
	_ =	sdelay $0x7  }
0x66: {  	[tilespmem:v1+s18+$0x0] =	vst.idx.add.f32.msk $0xffff, v0  }
0x67: {  	_ =	swait.ge [sflag:s1], $0x1400  }
0x68: {  	[sflag:s1] =	ssyncset.done $0x0  }
0x69: {  	s26 =	sadd.s32 $0x1E0, s22;
	[sflag:s1] =	ssyncadd.s32 $0xFFFFEC00  }
0x6a: {  	[tilespmem:s21], [sflag:$0x2] =	stream.indirect.gather [hbm4b:s0+s19], $0x40, s26, s19, $0xb8;
	[tilespmem:$0x1C840] =	vst v63  }
0x6b: {  	_ =	swait.ge [sflag:s2], $0x1400  }
0x6c: {  	[sflag:s2] =	ssyncset.done $0x0  }
0x6d: {  	s26 =	sadd.s32 $0x4EC0, s22;
	[sflag:s2] =	ssyncadd.s32 $0xFFFFEC00  }
0x6e: {  	[spmem:s3] =	stream.indirect.scatter.add.f32 [tilespmem:s23], [sflag:$0x8], $0x40, s26, s19, $0xb8;
	[tilespmem:$0x1C840] =	vst v63  }
0x6f: {  	v1 =	vld [tilespmem:s22+$0x4EC0];
	_ =	sdelay $0x7  }
0x70: {  	[tilespmem:v1+s18+$0x0] =	vst.idx.add.f32.msk $0xffff, v0  }
0x71: {  	v1 =	vld [tilespmem:s22+$0x4ED0];
	_ =	sdelay $0x7  }
0x72: {  	[tilespmem:v1+s18+$0x0] =	vst.idx.add.f32.msk $0xffff, v0  }
0x73: {  	v1 =	vld [tilespmem:s22+$0x4EE0];
	_ =	sdelay $0x7  }
0x74: {  	[tilespmem:v1+s18+$0x0] =	vst.idx.add.f32.msk $0xffff, v0  }
0x75: {  	v1 =	vld [tilespmem:s22+$0x4EF0];
	_ =	sdelay $0x7  }
0x76: {  	[tilespmem:v1+s18+$0x0] =	vst.idx.add.f32.msk $0xffff, v0  }
0x77: {  	v1 =	vld [tilespmem:s22+$0x4F00];
	_ =	sdelay $0x7  }
0x78: {  	[tilespmem:v1+s18+$0x0] =	vst.idx.add.f32.msk $0xffff, v0  }
0x79: {  	_ =	swait.ge [sflag:s6], $0x1400  }
0x7a: {  	[sflag:s6] =	ssyncset.done $0x0  }
0x7b: {  	s26 =	sadd.s32 $0x230, s22;
	[sflag:s6] =	ssyncadd.s32 $0xFFFFEC00  }
0x7c: {  	[tilespmem:s23], [sflag:$0x3] =	stream.indirect.gather [hbm4b:s0+s19], $0x40, s26, s19, $0xb8;
	[tilespmem:$0x1C840] =	vst v63  }
0x7d: {  	_ =	swait.ge [sflag:s7], $0x1400  }
0x7e: {  	[sflag:s7] =	ssyncset.done $0x0  }
0x7f: {  	s26 =	sadd.s32 $0x4F10, s22;
	[sflag:s7] =	ssyncadd.s32 $0xFFFFEC00  }
0x80: {  	[spmem:s3] =	stream.indirect.scatter.add.f32 [tilespmem:s25], [sflag:$0x9], $0x40, s26, s19, $0xb8;
	[tilespmem:$0x1C840] =	vst v63  }
0x81: {  	v1 =	vld [tilespmem:s22+$0x4F10];
	_ =	sdelay $0x7  }
0x82: {  	[tilespmem:v1+s18+$0x0] =	vst.idx.add.f32.msk $0xffff, v0  }
0x83: {  	v1 =	vld [tilespmem:s22+$0x4F20];
	_ =	sdelay $0x7  }
0x84: {  	[tilespmem:v1+s18+$0x0] =	vst.idx.add.f32.msk $0xffff, v0  }
0x85: {  	v1 =	vld [tilespmem:s22+$0x4F30];
	_ =	sdelay $0x7  }
0x86: {  	[tilespmem:v1+s18+$0x0] =	vst.idx.add.f32.msk $0xffff, v0  }
0x87: {  	v1 =	vld [tilespmem:s22+$0x4F40];
	_ =	sdelay $0x7  }
0x88: {  	[tilespmem:v1+s18+$0x0] =	vst.idx.add.f32.msk $0xffff, v0  }
0x89: {  	v1 =	vld [tilespmem:s22+$0x4F50];
	_ =	sdelay $0x7  }
0x8a: {  	[tilespmem:v1+s18+$0x0] =	vst.idx.add.f32.msk $0xffff, v0  }
0x8b: {  	_ =	swait.ge [sflag:s8], $0x1400  }
0x8c: {  	[sflag:s8] =	ssyncset.done $0x0  }
0x8d: {  	s26 =	sadd.s32 $0x280, s22;
	[sflag:s8] =	ssyncadd.s32 $0xFFFFEC00  }
0x8e: {  	[tilespmem:s25], [sflag:$0x4] =	stream.indirect.gather [hbm4b:s0+s19], $0x40, s26, s19, $0xb8;
	[tilespmem:$0x1C840] =	vst v63  }
0x8f: {  	_ =	swait.ge [sflag:s15], $0x1400  }
0x90: {  	[sflag:s15] =	ssyncset.done $0x0  }
0x91: {  	s26 =	sadd.s32 $0x4F60, s22;
	[sflag:s15] =	ssyncadd.s32 $0xFFFFEC00  }
0x92: {  	[spmem:s3] =	stream.indirect.scatter.add.f32 [tilespmem:s28], [sflag:$0xA], $0x40, s26, s19, $0xb8;
	[tilespmem:$0x1C840] =	vst v63  }
0x93: {  	v1 =	vld [tilespmem:s22+$0x4F60];
	_ =	sdelay $0x7  }
0x94: {  	[tilespmem:v1+s18+$0x0] =	vst.idx.add.f32.msk $0xffff, v0  }
0x95: {  	v1 =	vld [tilespmem:s22+$0x4F70];
	_ =	sdelay $0x7  }
0x96: {  	[tilespmem:v1+s18+$0x0] =	vst.idx.add.f32.msk $0xffff, v0  }
0x97: {  	v1 =	vld [tilespmem:s22+$0x4F80];
	_ =	sdelay $0x7  }
0x98: {  	[tilespmem:v1+s18+$0x0] =	vst.idx.add.f32.msk $0xffff, v0  }
0x99: {  	v1 =	vld [tilespmem:s22+$0x4F90];
	_ =	sdelay $0x7  }
0x9a: {  	[tilespmem:v1+s18+$0x0] =	vst.idx.add.f32.msk $0xffff, v0  }
0x9b: {  	v1 =	vld [tilespmem:s22+$0x4FA0];
	_ =	sdelay $0x1  }
0x9c: {  	s13 =	sadd.s32 $0x640, s13  }
0x9d: {  	p0 =	sne.s32 s13, $0x13240  }
.Ltmp1:
0x9e: {  	_ = 	snop;
	(pc) =	sbr.rel @p0 .LBB2_4-.Ltmp1, $2  }
0x9f: {  	_ =	sdelay $0x2  }
0xa0: {  	[tilespmem:v1+s18+$0x0] =	vst.idx.add.f32.msk $0xffff, v0  }
0xa1: {  	_ =	swait.ge [sflag:s9], $0x1400  }
0xa2: {  	[sflag:s9] =	ssyncset.done $0x0  }
0xa3: {  	s13 =	simm.s32 $0x4DD0;
	[sflag:s9] =	ssyncadd.s32 $0xFFFFEC00  }
0xa4: {  	[tilespmem:s28], [sflag:$0x5] =	stream.indirect.gather [hbm4b:s0+s19], $0x40, s13, s19, $0xb8;
	[tilespmem:$0x1C840] =	vst v63  }
0xa5: {  	_ =	swait.ge [sflag:s29], $0x1400  }
0xa6: {  	[sflag:s29] =	ssyncset.done $0x0  }
0xa7: {  	s26 =	simm.s32 $0x9AB0;
	[sflag:s29] =	ssyncadd.s32 $0xFFFFEC00  }
0xa8: {  	[spmem:s3] =	stream.indirect.scatter.add.f32 [tilespmem:s20], [sflag:$0x6], $0x40, s26, s19, $0xb8;
	[tilespmem:$0x1C840] =	vst v63  }
0xa9: {  	v1 =	vld [tilespmem:$0x9AB0];
	_ =	sdelay $0x7  }
0xaa: {  	[tilespmem:v1+s18+$0x0] =	vst.idx.add.f32.msk $0xffff, v0  }
0xab: {  	v1 =	vld [tilespmem:$0x9AC0];
	_ =	sdelay $0x7  }
0xac: {  	[tilespmem:v1+s18+$0x0] =	vst.idx.add.f32.msk $0xffff, v0  }
0xad: {  	v1 =	vld [tilespmem:$0x9AD0];
	_ =	sdelay $0x7  }
0xae: {  	[tilespmem:v1+s18+$0x0] =	vst.idx.add.f32.msk $0xffff, v0  }
0xaf: {  	v1 =	vld [tilespmem:$0x9AE0];
	_ =	sdelay $0x7  }
0xb0: {  	[tilespmem:v1+s18+$0x0] =	vst.idx.add.f32.msk $0xffff, v0  }
0xb1: {  	v1 =	vld [tilespmem:$0x9AF0];
	_ =	sdelay $0x7  }
0xb2: {  	[tilespmem:v1+s18+$0x0] =	vst.idx.add.f32.msk $0xffff, v0  }
0xb3: {  	_ =	swait.ge [sflag:s30], $0x1400  }
0xb4: {  	[sflag:s30] =	ssyncset.done $0x0  }
0xb5: {  	[sflag:s30] =	ssyncadd.s32 $0xFFFFEC00  }
0xb6: {  	_ =	swait.ge [sflag:s31], $0x1400  }
0xb7: {  	[sflag:s31] =	ssyncset.done $0x0  }
0xb8: {  	s22 =	simm.s32 $0x9B00;
	[sflag:s31] =	ssyncadd.s32 $0xFFFFEC00  }
0xb9: {  	[spmem:s3] =	stream.indirect.scatter.add.f32 [tilespmem:s21], [sflag:$0x7], $0x40, s22, s19, $0xb8;
	[tilespmem:$0x1C840] =	vst v63  }
0xba: {  	v1 =	vld [tilespmem:$0x9B00];
	_ =	sdelay $0x7  }
0xbb: {  	[tilespmem:v1+s18+$0x0] =	vst.idx.add.f32.msk $0xffff, v0  }
0xbc: {  	v1 =	vld [tilespmem:$0x9B10];
	_ =	sdelay $0x7  }
0xbd: {  	[tilespmem:v1+s18+$0x0] =	vst.idx.add.f32.msk $0xffff, v0  }
0xbe: {  	v1 =	vld [tilespmem:$0x9B20];
	_ =	sdelay $0x7  }
0xbf: {  	[tilespmem:v1+s18+$0x0] =	vst.idx.add.f32.msk $0xffff, v0  }
0xc0: {  	v1 =	vld [tilespmem:$0x9B30];
	_ =	sdelay $0x7  }
0xc1: {  	[tilespmem:v1+s18+$0x0] =	vst.idx.add.f32.msk $0xffff, v0  }
0xc2: {  	v1 =	vld [tilespmem:$0x9B40];
	_ =	sdelay $0x7  }
0xc3: {  	[tilespmem:v1+s18+$0x0] =	vst.idx.add.f32.msk $0xffff, v0  }
0xc4: {  	_ =	swait.ge [sflag:s1], $0x1400  }
0xc5: {  	[sflag:s1] =	ssyncset.done $0x0  }
0xc6: {  	[sflag:s1] =	ssyncadd.s32 $0xFFFFEC00  }
0xc7: {  	_ =	swait.ge [sflag:s2], $0x1400  }
0xc8: {  	[sflag:s2] =	ssyncset.done $0x0  }
0xc9: {  	s24 =	simm.s32 $0x9B50;
	[sflag:s2] =	ssyncadd.s32 $0xFFFFEC00  }
0xca: {  	[spmem:s3] =	stream.indirect.scatter.add.f32 [tilespmem:s23], [sflag:$0x8], $0x40, s24, s19, $0xb8;
	[tilespmem:$0x1C840] =	vst v63  }
0xcb: {  	v1 =	vld [tilespmem:$0x9B50];
	_ =	sdelay $0x7  }
0xcc: {  	[tilespmem:v1+s18+$0x0] =	vst.idx.add.f32.msk $0xffff, v0  }
0xcd: {  	v1 =	vld [tilespmem:$0x9B60];
	_ =	sdelay $0x7  }
0xce: {  	[tilespmem:v1+s18+$0x0] =	vst.idx.add.f32.msk $0xffff, v0  }
0xcf: {  	v1 =	vld [tilespmem:$0x9B70];
	_ =	sdelay $0x7  }
0xd0: {  	[tilespmem:v1+s18+$0x0] =	vst.idx.add.f32.msk $0xffff, v0  }
0xd1: {  	v1 =	vld [tilespmem:$0x9B80];
	_ =	sdelay $0x7  }
0xd2: {  	[tilespmem:v1+s18+$0x0] =	vst.idx.add.f32.msk $0xffff, v0  }
0xd3: {  	v1 =	vld [tilespmem:$0x9B90];
	_ =	sdelay $0x7  }
0xd4: {  	[tilespmem:v1+s18+$0x0] =	vst.idx.add.f32.msk $0xffff, v0  }
0xd5: {  	_ =	swait.ge [sflag:s6], $0x1400  }
0xd6: {  	[sflag:s6] =	ssyncset.done $0x0  }
0xd7: {  	[sflag:s6] =	ssyncadd.s32 $0xFFFFEC00  }
0xd8: {  	_ =	swait.ge [sflag:s7], $0x1400  }
0xd9: {  	[sflag:s7] =	ssyncset.done $0x0  }
0xda: {  	s26 =	simm.s32 $0x9BA0;
	[sflag:s7] =	ssyncadd.s32 $0xFFFFEC00  }
0xdb: {  	[spmem:s3] =	stream.indirect.scatter.add.f32 [tilespmem:s25], [sflag:$0x9], $0x40, s26, s19, $0xb8;
	[tilespmem:$0x1C840] =	vst v63  }
0xdc: {  	v1 =	vld [tilespmem:$0x9BA0];
	_ =	sdelay $0x7  }
0xdd: {  	[tilespmem:v1+s18+$0x0] =	vst.idx.add.f32.msk $0xffff, v0  }
0xde: {  	v1 =	vld [tilespmem:$0x9BB0];
	_ =	sdelay $0x7  }
0xdf: {  	[tilespmem:v1+s18+$0x0] =	vst.idx.add.f32.msk $0xffff, v0  }
0xe0: {  	v1 =	vld [tilespmem:$0x9BC0];
	_ =	sdelay $0x7  }
0xe1: {  	[tilespmem:v1+s18+$0x0] =	vst.idx.add.f32.msk $0xffff, v0  }
0xe2: {  	v1 =	vld [tilespmem:$0x9BD0];
	_ =	sdelay $0x7  }
0xe3: {  	[tilespmem:v1+s18+$0x0] =	vst.idx.add.f32.msk $0xffff, v0  }
0xe4: {  	v1 =	vld [tilespmem:$0x9BE0];
	_ =	sdelay $0x7  }
0xe5: {  	[tilespmem:v1+s18+$0x0] =	vst.idx.add.f32.msk $0xffff, v0  }
0xe6: {  	_ =	swait.ge [sflag:s8], $0x1400  }
0xe7: {  	[sflag:s8] =	ssyncset.done $0x0  }
0xe8: {  	[sflag:s8] =	ssyncadd.s32 $0xFFFFEC00  }
0xe9: {  	_ =	swait.ge [sflag:s15], $0x1400  }
0xea: {  	[sflag:s15] =	ssyncset.done $0x0  }
0xeb: {  	s22 =	simm.s32 $0x9BF0;
	[sflag:s15] =	ssyncadd.s32 $0xFFFFEC00  }
0xec: {  	[spmem:s3] =	stream.indirect.scatter.add.f32 [tilespmem:s28], [sflag:$0xA], $0x40, s22, s19, $0xb8;
	[tilespmem:$0x1C840] =	vst v63  }
0xed: {  	v1 =	vld [tilespmem:$0x9BF0];
	_ =	sdelay $0x7  }
0xee: {  	[tilespmem:v1+s18+$0x0] =	vst.idx.add.f32.msk $0xffff, v0  }
0xef: {  	v1 =	vld [tilespmem:$0x9C00];
	_ =	sdelay $0x7  }
0xf0: {  	[tilespmem:v1+s18+$0x0] =	vst.idx.add.f32.msk $0xffff, v0  }
0xf1: {  	v1 =	vld [tilespmem:$0x9C10];
	_ =	sdelay $0x7  }
0xf2: {  	[tilespmem:v1+s18+$0x0] =	vst.idx.add.f32.msk $0xffff, v0  }
0xf3: {  	v1 =	vld [tilespmem:$0x9C20];
	_ =	sdelay $0x7  }
0xf4: {  	[tilespmem:v1+s18+$0x0] =	vst.idx.add.f32.msk $0xffff, v0  }
0xf5: {  	v1 =	vld [tilespmem:$0x9C30];
	_ =	sdelay $0x7  }
0xf6: {  	[tilespmem:v1+s18+$0x0] =	vst.idx.add.f32.msk $0xffff, v0  }
0xf7: {  	_ =	swait.ge [sflag:s9], $0x1400  }
0xf8: {  	[sflag:s9] =	ssyncset.done $0x0  }
0xf9: {  	[sflag:s9] =	ssyncadd.s32 $0xFFFFEC00  }
0xfa: {  	[bflag:$0x0] =	sbarrier.arrive $0xFFFF  }
0xfb: {  	s24 =	rddreg [dreg:$0x8]  }
0xfc: {  	[hbm:s24@s10], [sflag:s16] =	dma.strided [spmem:s17@s6], $0x1400, s29, $0x8   }
0xfd: {  	_ =	swait.ge [sflag:s14], $0x1400  }
0xfe: {  	[sflag:s14] =	ssyncset.done $0x0  }
0xff: {  	s26 =	simm.s32 $0x0;
	s22 =	rddreg [dreg:$0x9];
	[sflag:s14] =	ssyncadd.s32 $0xFFFFEC00  }
0x100: {  	[hbm4b:s22+s26] =	stream.linear.scatter [tilespmem:s18], [sflag:$0xB], $0x2800, $0x38;
	[tilespmem:$0x1C840] =	vst v63  }
0x101: {  	_ =	swait.ge [sflag:s14], $0x2800  }
0x102: {  	[sflag:s14] =	ssyncset.done $0x0  }
0x103: {  	[sflag:s14] =	ssyncadd.s32 $0xFFFFD800  }
0x104: {  	[spmem:s17], [sflag:s16] =	dma.local [hbm:s5], $0x1400  }
0x105: {  	_ =	swait.ge [sflag:s14], $0x1400  }
0x106: {  	[sflag:s14] =	ssyncset.done $0x0  }
0x107: {  	[sflag:s14] =	ssyncadd.s32 $0xFFFFEC00  }
0x108: {  	[bflag:$0x0] =	sbarrier.arrive $0xFFFF  }
0x109: {  	[tilespmem:s20], [sflag:$0x1] =	stream.indirect.gather [hbm4b:s11+s19], $0x40, s26, s19, $0xb8;
	[tilespmem:$0x1C840] =	vst v63  }
0x10a: {  	_ = 	snop  }
0x10b: {  	[tilespmem:s21], [sflag:$0x2] =	stream.indirect.gather [hbm4b:s11+s19], $0x40, s19, s19, $0xb8;
	[tilespmem:$0x1C840] =	vst v63  }
0x10c: {  	s24 =	simm.s32 $0xA0  }
0x10d: {  	[tilespmem:s23], [sflag:$0x3] =	stream.indirect.gather [hbm4b:s11+s19], $0x40, s24, s19, $0xb8;
	[tilespmem:$0x1C840] =	vst v63  }
0x10e: {  	s26 =	simm.s32 $0xF0  }
0x10f: {  	[tilespmem:s25], [sflag:$0x4] =	stream.indirect.gather [hbm4b:s11+s19], $0x40, s26, s19, $0xb8;
	[tilespmem:$0x1C840] =	vst v63  }
0x110: {  	s22 =	simm.s32 $0x140  }
0x111: {  	[tilespmem:s28], [sflag:$0x5] =	stream.indirect.gather [hbm4b:s11+s19], $0x40, s22, s19, $0xb8;
	[tilespmem:$0x1C840] =	vst v63  }
0x112: {  	_ =	swait.ge [sflag:s29], $0x1400  }
0x113: {  	[sflag:s29] =	ssyncset.done $0x0  }
0x114: {  	s26 =	simm.s32 $0x4E20;
	[sflag:s29] =	ssyncadd.s32 $0xFFFFEC00  }
0x115: {  	[spmem:s3] =	stream.indirect.scatter.add.f32 [tilespmem:s20], [sflag:$0x6], $0x40, s26, s19, $0xb8;
	[tilespmem:$0x1C840] =	vst v63  }
0x116: {  	_ =	swait.ge [sflag:s30], $0x1400  }
0x117: {  	[sflag:s30] =	ssyncset.done $0x0  }
0x118: {  	s24 =	simm.s32 $0x190;
	[sflag:s30] =	ssyncadd.s32 $0xFFFFEC00  }
0x119: {  	[tilespmem:s20], [sflag:$0x1] =	stream.indirect.gather [hbm4b:s11+s19], $0x40, s24, s19, $0xb8;
	[tilespmem:$0x1C840] =	vst v63  }
0x11a: {  	_ =	swait.ge [sflag:s31], $0x1400  }
0x11b: {  	[sflag:s31] =	ssyncset.done $0x0  }
0x11c: {  	s22 =	simm.s32 $0x4E70;
	[sflag:s31] =	ssyncadd.s32 $0xFFFFEC00  }
0x11d: {  	[spmem:s3] =	stream.indirect.scatter.add.f32 [tilespmem:s21], [sflag:$0x7], $0x40, s22, s19, $0xb8;
	[tilespmem:$0x1C840] =	vst v63  }
0x11e: {  	_ =	swait.ge [sflag:s1], $0x1400  }
0x11f: {  	[sflag:s1] =	ssyncset.done $0x0  }
0x120: {  	s24 =	simm.s32 $0x1E0;
	[sflag:s1] =	ssyncadd.s32 $0xFFFFEC00  }
0x121: {  	[tilespmem:s21], [sflag:$0x2] =	stream.indirect.gather [hbm4b:s11+s19], $0x40, s24, s19, $0xb8;
	[tilespmem:$0x1C840] =	vst v63  }
0x122: {  	_ =	swait.ge [sflag:s2], $0x1400  }
0x123: {  	[sflag:s2] =	ssyncset.done $0x0  }
0x124: {  	s22 =	simm.s32 $0x4EC0;
	[sflag:s2] =	ssyncadd.s32 $0xFFFFEC00  }
0x125: {  	[spmem:s3] =	stream.indirect.scatter.add.f32 [tilespmem:s23], [sflag:$0x8], $0x40, s22, s19, $0xb8;
	[tilespmem:$0x1C840] =	vst v63  }
0x126: {  	_ =	swait.ge [sflag:s6], $0x1400  }
0x127: {  	[sflag:s6] =	ssyncset.done $0x0  }
0x128: {  	s24 =	simm.s32 $0x230;
	[sflag:s6] =	ssyncadd.s32 $0xFFFFEC00  }
0x129: {  	[tilespmem:s23], [sflag:$0x3] =	stream.indirect.gather [hbm4b:s11+s19], $0x40, s24, s19, $0xb8;
	[tilespmem:$0x1C840] =	vst v63  }
0x12a: {  	_ =	swait.ge [sflag:s7], $0x1400  }
0x12b: {  	[sflag:s7] =	ssyncset.done $0x0  }
0x12c: {  	s22 =	simm.s32 $0x4F10;
	[sflag:s7] =	ssyncadd.s32 $0xFFFFEC00  }
0x12d: {  	[spmem:s3] =	stream.indirect.scatter.add.f32 [tilespmem:s25], [sflag:$0x9], $0x40, s22, s19, $0xb8;
	[tilespmem:$0x1C840] =	vst v63  }
0x12e: {  	_ =	swait.ge [sflag:s8], $0x1400  }
0x12f: {  	[sflag:s8] =	ssyncset.done $0x0  }
0x130: {  	s24 =	simm.s32 $0x280;
	[sflag:s8] =	ssyncadd.s32 $0xFFFFEC00  }
0x131: {  	[tilespmem:s25], [sflag:$0x4] =	stream.indirect.gather [hbm4b:s11+s19], $0x40, s24, s19, $0xb8;
	[tilespmem:$0x1C840] =	vst v63  }
0x132: {  	_ =	swait.ge [sflag:s15], $0x1400  }
0x133: {  	[sflag:s15] =	ssyncset.done $0x0  }
0x134: {  	s22 =	simm.s32 $0x4F60;
	[sflag:s15] =	ssyncadd.s32 $0xFFFFEC00  }
0x135: {  	[spmem:s3] =	stream.indirect.scatter.add.f32 [tilespmem:s28], [sflag:$0xA], $0x40, s22, s19, $0xb8;
	[tilespmem:$0x1C840] =	vst v63  }
0x136: {  	_ =	swait.ge [sflag:s9], $0x1400  }
0x137: {  	[sflag:s9] =	ssyncset.done $0x0  }
0x138: {  	s24 =	simm.s32 $0x2D0;
	[sflag:s9] =	ssyncadd.s32 $0xFFFFEC00  }
0x139: {  	[tilespmem:s28], [sflag:$0x5] =	stream.indirect.gather [hbm4b:s11+s19], $0x40, s24, s19, $0xb8;
	[tilespmem:$0x1C840] =	vst v63  }
0x13a: {  	_ =	swait.ge [sflag:s29], $0x1400  }
0x13b: {  	[sflag:s29] =	ssyncset.done $0x0  }
0x13c: {  	s22 =	simm.s32 $0x4FB0;
	[sflag:s29] =	ssyncadd.s32 $0xFFFFEC00  }
0x13d: {  	[spmem:s3] =	stream.indirect.scatter.add.f32 [tilespmem:s20], [sflag:$0x6], $0x40, s22, s19, $0xb8;
	[tilespmem:$0x1C840] =	vst v63  }
0x13e: {  	_ =	swait.ge [sflag:s30], $0x1400  }
0x13f: {  	[sflag:s30] =	ssyncset.done $0x0  }
0x140: {  	s24 =	simm.s32 $0x320;
	[sflag:s30] =	ssyncadd.s32 $0xFFFFEC00  }
0x141: {  	[tilespmem:s20], [sflag:$0x1] =	stream.indirect.gather [hbm4b:s11+s19], $0x40, s24, s19, $0xb8;
	[tilespmem:$0x1C840] =	vst v63  }
0x142: {  	_ =	swait.ge [sflag:s31], $0x1400  }
0x143: {  	[sflag:s31] =	ssyncset.done $0x0  }
0x144: {  	s22 =	simm.s32 $0x5000;
	[sflag:s31] =	ssyncadd.s32 $0xFFFFEC00  }
0x145: {  	[spmem:s3] =	stream.indirect.scatter.add.f32 [tilespmem:s21], [sflag:$0x7], $0x40, s22, s19, $0xb8;
	[tilespmem:$0x1C840] =	vst v63  }
0x146: {  	_ =	swait.ge [sflag:s1], $0x1400  }
0x147: {  	[sflag:s1] =	ssyncset.done $0x0  }
0x148: {  	s24 =	simm.s32 $0x370;
	[sflag:s1] =	ssyncadd.s32 $0xFFFFEC00  }
0x149: {  	[tilespmem:s21], [sflag:$0x2] =	stream.indirect.gather [hbm4b:s11+s19], $0x40, s24, s19, $0xb8;
	[tilespmem:$0x1C840] =	vst v63  }
0x14a: {  	_ =	swait.ge [sflag:s2], $0x1400  }
0x14b: {  	[sflag:s2] =	ssyncset.done $0x0  }
0x14c: {  	s22 =	simm.s32 $0x5050;
	[sflag:s2] =	ssyncadd.s32 $0xFFFFEC00  }
0x14d: {  	[spmem:s3] =	stream.indirect.scatter.add.f32 [tilespmem:s23], [sflag:$0x8], $0x40, s22, s19, $0xb8;
	[tilespmem:$0x1C840] =	vst v63  }
0x14e: {  	_ =	swait.ge [sflag:s6], $0x1400  }
0x14f: {  	[sflag:s6] =	ssyncset.done $0x0  }
0x150: {  	s24 =	simm.s32 $0x3C0;
	[sflag:s6] =	ssyncadd.s32 $0xFFFFEC00  }
0x151: {  	[tilespmem:s23], [sflag:$0x3] =	stream.indirect.gather [hbm4b:s11+s19], $0x40, s24, s19, $0xb8;
	[tilespmem:$0x1C840] =	vst v63  }
0x152: {  	_ =	swait.ge [sflag:s7], $0x1400  }
0x153: {  	[sflag:s7] =	ssyncset.done $0x0  }
0x154: {  	s22 =	simm.s32 $0x50A0;
	[sflag:s7] =	ssyncadd.s32 $0xFFFFEC00  }
0x155: {  	[spmem:s3] =	stream.indirect.scatter.add.f32 [tilespmem:s25], [sflag:$0x9], $0x40, s22, s19, $0xb8;
	[tilespmem:$0x1C840] =	vst v63  }
0x156: {  	_ =	swait.ge [sflag:s8], $0x1400  }
0x157: {  	[sflag:s8] =	ssyncset.done $0x0  }
0x158: {  	s24 =	simm.s32 $0x410;
	[sflag:s8] =	ssyncadd.s32 $0xFFFFEC00  }
0x159: {  	[tilespmem:s25], [sflag:$0x4] =	stream.indirect.gather [hbm4b:s11+s19], $0x40, s24, s19, $0xb8;
	[tilespmem:$0x1C840] =	vst v63  }
0x15a: {  	_ =	swait.ge [sflag:s15], $0x1400  }
0x15b: {  	[sflag:s15] =	ssyncset.done $0x0  }
0x15c: {  	s13 =	simm.s32 $0x640;
	s22 =	simm.s32 $0x50F0;
	[sflag:s15] =	ssyncadd.s32 $0xFFFFEC00  }
.LBB2_6:
0x15d: {  	[spmem:s3] =	stream.indirect.scatter.add.f32 [tilespmem:s28], [sflag:$0xA], $0x40, s22, s19, $0xb8;
	[tilespmem:$0x1C840] =	vst v63  }
0x15e: {  	s22 =	smov.u32 s13  }
0x15f: {  	p0 =	sne.s32 s13, $0x125C0;
	s13 =	sadd.s32 $0x640, s13;
	_ =	swait.ge [sflag:s9], $0x1400  }
0x160: {  	s22 =	sshra.s32 s22, $0x2;
	[sflag:s9] =	ssyncset.done $0x0  }
0x161: {  	s24 =	sadd.s32 $0x2D0, s22;
	[sflag:s9] =	ssyncadd.s32 $0xFFFFEC00  }
0x162: {  	[tilespmem:s28], [sflag:$0x5] =	stream.indirect.gather [hbm4b:s11+s19], $0x40, s24, s19, $0xb8;
	[tilespmem:$0x1C840] =	vst v63  }
0x163: {  	_ =	swait.ge [sflag:s29], $0x1400  }
0x164: {  	[sflag:s29] =	ssyncset.done $0x0  }
0x165: {  	s24 =	sadd.s32 $0x4FB0, s22;
	[sflag:s29] =	ssyncadd.s32 $0xFFFFEC00  }
0x166: {  	[spmem:s3] =	stream.indirect.scatter.add.f32 [tilespmem:s20], [sflag:$0x6], $0x40, s24, s19, $0xb8;
	[tilespmem:$0x1C840] =	vst v63  }
0x167: {  	_ =	swait.ge [sflag:s30], $0x1400  }
0x168: {  	[sflag:s30] =	ssyncset.done $0x0  }
0x169: {  	s24 =	sadd.s32 $0x320, s22;
	[sflag:s30] =	ssyncadd.s32 $0xFFFFEC00  }
0x16a: {  	[tilespmem:s20], [sflag:$0x1] =	stream.indirect.gather [hbm4b:s11+s19], $0x40, s24, s19, $0xb8;
	[tilespmem:$0x1C840] =	vst v63  }
0x16b: {  	_ =	swait.ge [sflag:s31], $0x1400  }
0x16c: {  	[sflag:s31] =	ssyncset.done $0x0  }
0x16d: {  	s24 =	sadd.s32 $0x5000, s22;
	[sflag:s31] =	ssyncadd.s32 $0xFFFFEC00  }
0x16e: {  	[spmem:s3] =	stream.indirect.scatter.add.f32 [tilespmem:s21], [sflag:$0x7], $0x40, s24, s19, $0xb8;
	[tilespmem:$0x1C840] =	vst v63  }
0x16f: {  	_ =	swait.ge [sflag:s1], $0x1400  }
0x170: {  	[sflag:s1] =	ssyncset.done $0x0  }
0x171: {  	s24 =	sadd.s32 $0x370, s22;
	[sflag:s1] =	ssyncadd.s32 $0xFFFFEC00  }
0x172: {  	[tilespmem:s21], [sflag:$0x2] =	stream.indirect.gather [hbm4b:s11+s19], $0x40, s24, s19, $0xb8;
	[tilespmem:$0x1C840] =	vst v63  }
0x173: {  	_ =	swait.ge [sflag:s2], $0x1400  }
0x174: {  	[sflag:s2] =	ssyncset.done $0x0  }
0x175: {  	s24 =	sadd.s32 $0x5050, s22;
	[sflag:s2] =	ssyncadd.s32 $0xFFFFEC00  }
0x176: {  	[spmem:s3] =	stream.indirect.scatter.add.f32 [tilespmem:s23], [sflag:$0x8], $0x40, s24, s19, $0xb8;
	[tilespmem:$0x1C840] =	vst v63  }
0x177: {  	_ =	swait.ge [sflag:s6], $0x1400  }
0x178: {  	[sflag:s6] =	ssyncset.done $0x0  }
0x179: {  	s24 =	sadd.s32 $0x3C0, s22;
	[sflag:s6] =	ssyncadd.s32 $0xFFFFEC00  }
0x17a: {  	[tilespmem:s23], [sflag:$0x3] =	stream.indirect.gather [hbm4b:s11+s19], $0x40, s24, s19, $0xb8;
	[tilespmem:$0x1C840] =	vst v63  }
0x17b: {  	_ =	swait.ge [sflag:s7], $0x1400  }
0x17c: {  	[sflag:s7] =	ssyncset.done $0x0  }
0x17d: {  	s24 =	sadd.s32 $0x50A0, s22;
	[sflag:s7] =	ssyncadd.s32 $0xFFFFEC00  }
0x17e: {  	[spmem:s3] =	stream.indirect.scatter.add.f32 [tilespmem:s25], [sflag:$0x9], $0x40, s24, s19, $0xb8;
	[tilespmem:$0x1C840] =	vst v63  }
0x17f: {  	_ =	swait.ge [sflag:s8], $0x1400  }
0x180: {  	[sflag:s8] =	ssyncset.done $0x0  }
.Ltmp2:
0x181: {  	s24 =	sadd.s32 $0x410, s22;
	[sflag:s8] =	ssyncadd.s32 $0xFFFFEC00;
	(pc) =	sbr.rel @p0 .LBB2_6-.Ltmp2, $4  }
0x182: {  	[tilespmem:s25], [sflag:$0x4] =	stream.indirect.gather [hbm4b:s11+s19], $0x40, s24, s19, $0xb8;
	[tilespmem:$0x1C840] =	vst v63  }
0x183: {  	_ =	swait.ge [sflag:s15], $0x1400  }
0x184: {  	[sflag:s15] =	ssyncset.done $0x0  }
0x185: {  	s22 =	sadd.s32 $0x50F0, s22;
	[sflag:s15] =	ssyncadd.s32 $0xFFFFEC00  }
0x186: {  	[spmem:s3] =	stream.indirect.scatter.add.f32 [tilespmem:s28], [sflag:$0xA], $0x40, s22, s19, $0xb8;
	[tilespmem:$0x1C840] =	vst v63  }
0x187: {  	_ =	swait.ge [sflag:s9], $0x1400  }
0x188: {  	[sflag:s9] =	ssyncset.done $0x0  }
0x189: {  	s13 =	simm.s32 $0x4DD0;
	[sflag:s9] =	ssyncadd.s32 $0xFFFFEC00  }
0x18a: {  	[tilespmem:s28], [sflag:$0x5] =	stream.indirect.gather [hbm4b:s11+s19], $0x40, s13, s19, $0xb8;
	[tilespmem:$0x1C840] =	vst v63  }
0x18b: {  	_ =	swait.ge [sflag:s29], $0x1400  }
0x18c: {  	[sflag:s29] =	ssyncset.done $0x0  }
0x18d: {  	s24 =	simm.s32 $0x9AB0;
	[sflag:s29] =	ssyncadd.s32 $0xFFFFEC00  }
0x18e: {  	[spmem:s3] =	stream.indirect.scatter.add.f32 [tilespmem:s20], [sflag:$0x6], $0x40, s24, s19, $0xb8;
	[tilespmem:$0x1C840] =	vst v63  }
0x18f: {  	_ =	swait.ge [sflag:s30], $0x1400  }
0x190: {  	[sflag:s30] =	ssyncset.done $0x0  }
0x191: {  	[sflag:s30] =	ssyncadd.s32 $0xFFFFEC00  }
0x192: {  	_ =	swait.ge [sflag:s31], $0x1400  }
0x193: {  	[sflag:s31] =	ssyncset.done $0x0  }
0x194: {  	s22 =	simm.s32 $0x9B00;
	[sflag:s31] =	ssyncadd.s32 $0xFFFFEC00  }
0x195: {  	[spmem:s3] =	stream.indirect.scatter.add.f32 [tilespmem:s21], [sflag:$0x7], $0x40, s22, s19, $0xb8;
	[tilespmem:$0x1C840] =	vst v63  }
0x196: {  	_ =	swait.ge [sflag:s1], $0x1400  }
0x197: {  	[sflag:s1] =	ssyncset.done $0x0  }
0x198: {  	[sflag:s1] =	ssyncadd.s32 $0xFFFFEC00  }
0x199: {  	_ =	swait.ge [sflag:s2], $0x1400  }
0x19a: {  	[sflag:s2] =	ssyncset.done $0x0  }
0x19b: {  	s24 =	simm.s32 $0x9B50;
	[sflag:s2] =	ssyncadd.s32 $0xFFFFEC00  }
0x19c: {  	[spmem:s3] =	stream.indirect.scatter.add.f32 [tilespmem:s23], [sflag:$0x8], $0x40, s24, s19, $0xb8;
	[tilespmem:$0x1C840] =	vst v63  }
0x19d: {  	_ =	swait.ge [sflag:s6], $0x1400  }
0x19e: {  	[sflag:s6] =	ssyncset.done $0x0  }
0x19f: {  	[sflag:s6] =	ssyncadd.s32 $0xFFFFEC00  }
0x1a0: {  	_ =	swait.ge [sflag:s7], $0x1400  }
0x1a1: {  	[sflag:s7] =	ssyncset.done $0x0  }
0x1a2: {  	s22 =	simm.s32 $0x9BA0;
	[sflag:s7] =	ssyncadd.s32 $0xFFFFEC00  }
0x1a3: {  	[spmem:s3] =	stream.indirect.scatter.add.f32 [tilespmem:s25], [sflag:$0x9], $0x40, s22, s19, $0xb8;
	[tilespmem:$0x1C840] =	vst v63  }
0x1a4: {  	_ =	swait.ge [sflag:s8], $0x1400  }
0x1a5: {  	[sflag:s8] =	ssyncset.done $0x0  }
0x1a6: {  	[sflag:s8] =	ssyncadd.s32 $0xFFFFEC00  }
0x1a7: {  	_ =	swait.ge [sflag:s15], $0x1400  }
0x1a8: {  	[sflag:s15] =	ssyncset.done $0x0  }
0x1a9: {  	s24 =	simm.s32 $0x9BF0;
	[sflag:s15] =	ssyncadd.s32 $0xFFFFEC00  }
0x1aa: {  	[spmem:s3] =	stream.indirect.scatter.add.f32 [tilespmem:s28], [sflag:$0xA], $0x40, s24, s19, $0xb8;
	[tilespmem:$0x1C840] =	vst v63  }
0x1ab: {  	_ =	swait.ge [sflag:s9], $0x1400  }
0x1ac: {  	[sflag:s9] =	ssyncset.done $0x0  }
0x1ad: {  	[sflag:s9] =	ssyncadd.s32 $0xFFFFEC00  }
0x1ae: {  	[bflag:$0x0] =	sbarrier.arrive $0xFFFF  }
0x1af: {  	s22 =	rddreg [dreg:$0xa]  }
0x1b0: {  	[hbm:s22@s10], [sflag:s16] =	dma.strided [spmem:s17@s6], $0x1400, s29, $0x8   }
0x1b1: {  	_ =	swait.ge [sflag:s14], $0x1400  }
0x1b2: {  	s12 =	sadd.s32 $0x1, s12;
	s24 =	rddreg [dreg:$0xb]  }
0x1b3: {  	p0 =	sne.s32 s12, s24  }
.Ltmp3:
0x1b4: {  	_ = 	snop;
	(pc) =	sbr.rel @p0 .LBB2_1-.Ltmp3, $3  }
0x1b5: {  	_ =	sdelay $0x1  }
0x1b6: {  	[sflag:s14] =	ssyncset.done $0x0  }
0x1b7: {  	[sflag:s14] =	ssyncadd.s32 $0xFFFFEC00  }
0x1b8: {  	_ =	sfence.sel $0x180000  }
0x1b9: {  	[bflag:$0x0] =	sbarrier.arrive $0xFFFF  }
0x1ba: {  	_ =	strace $0x90000047  }
0x1bb: {  	s0 =	stileid.u32;
	[bflag:$0x2] =	sbarrier.arrive $0xFFFF  }
0x1bc: {  	p0 =	sne.s32 s0, $0x0;
	s0 =	rddreg [dreg:$0x4]  }
0x1bd: {  	s0 =	sadd.s32 @!p0 $0x100000, s0  }
0x1be: {  	[sflag:s0] =	ssyncadd.tile.s32 @!p0 $0x1;
	_ =	shalt  }
.Lfunc_end2:
_tile_overlayer_lowered:
.L_overlay_start_2:
0x1bf: {  	(tag) =	ssettag $0x2  }
0x1c0: {  	s0 =	rddreg [dreg:$0x0];
	s2 =	stileid.u32  }
0x1c1: {  	s1 =	rddreg [dreg:$0x1];
	p0 =	sne.s32 s2, $0x0  }
0x1c2: {  	s3 =	rddreg [dreg:$0x2];
	[bflag:$0x3] =	sbarrier.arrive $0xFFFF;
	s2 =	simm.s32 @!p0 $0x1C0B  }
0x1c3: {  	[timem:s3], [sflag:s2] =	dma.local @!p0 [hbm:s0], s1  }
0x1c4: {  	s0 =	simm.s32 @!p0 $0xB  }
0x1c5: {  	_ =	swait.ge @!p0 [sflag:s0], s1  }
0x1c6: {  	s1 =	ssub.s32 @!p0 $0x0, s1;
	[sflag:s0] =	ssyncset.done @!p0 $0x0  }
0x1c7: {  	[sflag:s0] =	ssyncadd.s32 @!p0 s1  }
0x1c8: {  	[bflag:$0x3] =	sbarrier.arrive $0xFFFF  }
0x1c9: {  	_ =	shalt  }

</sc_bundles>
